<compile_context>
chip_gen: v7x
topology: tpu7x:2x2x1
jax: 0.10.2.dev20260603
libtpu: 0.0.44.dev20260713+nightly
codegen_flags: <defaults>
</compile_context>

<pallas_src>
import functools

import jax
import jax.numpy as jnp
from jax import lax
from jax.experimental import pallas as pl
from jax.experimental.pallas import tpu as pltpu
from jax.experimental.pallas import tpu_sc as plsc

D = 128
H = 64
L = 128
B = 64
NH = 8
FO = 8


def _sc_embedding_gather(table, idx2d):
    nchunks, chunk = idx2d.shape
    info = plsc.get_sparse_core_info()
    ncores, nsub = info.num_cores, info.num_subcores
    nw = ncores * nsub
    cpw = nchunks // nw
    mesh = plsc.VectorSubcoreMesh(core_axis_name="c", subcore_axis_name="s")

    @functools.partial(
        pl.kernel,
        mesh=mesh,
        out_type=jax.ShapeDtypeStruct((nchunks * chunk, D), jnp.float32),
        scratch_types=[
            pltpu.VMEM((cpw, chunk), jnp.int32),
            pltpu.VMEM((chunk, D), jnp.float32),
            pltpu.VMEM((chunk, D), jnp.float32),
            pltpu.SemaphoreType.DMA,
            pltpu.SemaphoreType.DMA,
        ],
    )
    def gather_kernel(table_hbm, idx_hbm, out_hbm, idx_v, rows0, rows1, sem0, sem1):
        wid = lax.axis_index("s") * ncores + lax.axis_index("c")
        pltpu.sync_copy(idx_hbm.at[pl.ds(wid * cpw, cpw)], idx_v)
        cp0 = pltpu.async_copy(table_hbm.at[idx_v.at[0]], rows0, sem0)
        cp1 = pltpu.async_copy(table_hbm.at[idx_v.at[1]], rows1, sem1)
        cp0.wait()
        pltpu.sync_copy(rows0, out_hbm.at[pl.ds(wid * cpw * chunk, chunk)])
        cp1.wait()
        pltpu.sync_copy(rows1, out_hbm.at[pl.ds((wid * cpw + 1) * chunk, chunk)])

    return gather_kernel(table, idx2d)


def _lstm_kernel(hemb_ref, wihf_ref, wihb_ref, wblk_ref, bf_ref, bb_ref,
                 hseq_ref, xwf_ref, xwb_ref):
    xwf_ref[...] = jnp.dot(hemb_ref[...], wihf_ref[...],
                           preferred_element_type=jnp.float32) + bf_ref[...]
    xwb_ref[...] = jnp.dot(hemb_ref[...], wihb_ref[...],
                           preferred_element_type=jnp.float32) + bb_ref[...]

    def sigmoid(x):
        return 1.0 / (1.0 + jnp.exp(-x))

    def body(t, carry):
        h, c = carry
        af = xwf_ref[pl.ds(t * B, B), :]
        ab = xwb_ref[pl.ds((L - 1 - t) * B, B), :]
        g = jnp.concatenate([af, ab], axis=1) + jnp.dot(
            h, wblk_ref[...], preferred_element_type=jnp.float32)
        i_g = jnp.concatenate([g[:, 0 * H:1 * H], g[:, 4 * H:5 * H]], axis=1)
        f_g = jnp.concatenate([g[:, 1 * H:2 * H], g[:, 5 * H:6 * H]], axis=1)
        c_g = jnp.concatenate([g[:, 2 * H:3 * H], g[:, 6 * H:7 * H]], axis=1)
        o_g = jnp.concatenate([g[:, 3 * H:4 * H], g[:, 7 * H:8 * H]], axis=1)
        c_new = sigmoid(f_g) * c + sigmoid(i_g) * jnp.tanh(c_g)
        h_new = sigmoid(o_g) * jnp.tanh(c_new)
        hseq_ref[t, :, 0:H] = h_new[:, 0:H]
        hseq_ref[L - 1 - t, :, H:2 * H] = h_new[:, H:2 * H]
        return h_new, c_new

    z = jnp.zeros((B, 2 * H), jnp.float32)
    lax.fori_loop(0, L, body, (z, z))


SPG = 4


def _gat_kernel(x_ref, gw1_ref, gt_ref, gsT_ref, gb1_ref, g2t_ref, g2sT_ref,
                ctxT_ref, mask_ref, linwT_ref, linb_ref, outwT_ref, outb_ref,
                att_ref, logits_ref):
    rr = lax.broadcasted_iota(jnp.int32, (L, L), 0)
    cc = lax.broadcasted_iota(jnp.int32, (L, L), 1)
    eye = (rr == cc).astype(jnp.float32)
    for sidx in range(SPG):
        x = x_ref[:, sidx * 2 * H:(sidx + 1) * 2 * H]
        proj = jnp.dot(x, gw1_ref[...], preferred_element_type=jnp.float32)
        adst = jnp.dot(proj, gt_ref[...], preferred_element_type=jnp.float32)
        asrcT = lax.dot_general(gsT_ref[...], proj, (((1,), (1,)), ((), ())),
                                preferred_element_type=jnp.float32)
        outs = []
        for hh in range(NH):
            s = adst[:, hh:hh + 1] + asrcT[hh:hh + 1, :]
            s = jnp.where(s >= 0, s, 0.2 * s)
            mx = jnp.max(s, axis=1, keepdims=True)
            e = jnp.exp(s - mx)
            den = jnp.sum(e, axis=1, keepdims=True)
            att = e / (den + 1e-16)
            outs.append(jnp.dot(att, proj[:, FO * hh:FO * hh + FO],
                                preferred_element_type=jnp.float32))
        h1 = jnp.concatenate(outs, axis=1) + gb1_ref[...]
        h1 = jnp.where(h1 > 0, h1, jnp.exp(jnp.minimum(h1, 0.0)) - 1.0)

        ptc = jnp.dot(h1, g2t_ref[...], preferred_element_type=jnp.float32)
        psr = lax.dot_general(g2sT_ref[...], h1, (((1,), (1,)), ((), ())),
                              preferred_element_type=jnp.float32)
        s2 = ptc + psr
        s2 = jnp.where(s2 >= 0, s2, 0.2 * s2)
        mx2 = jnp.max(s2, axis=1, keepdims=True)
        e2 = jnp.exp(s2 - mx2)
        den2 = jnp.sum(e2, axis=1, keepdims=True)
        a2t = e2 / (den2 + 1e-16)

        att_row = jnp.dot(ctxT_ref[...], a2t, preferred_element_type=jnp.float32)
        m = mask_ref[sidx]
        att_row = jnp.where(m > 0, att_row, -jnp.inf)
        amx = jnp.max(att_row, axis=1, keepdims=True)
        ae = jnp.exp(att_row - amx)
        att_n = ae / jnp.sum(ae, axis=1, keepdims=True)
        att_ref[sidx] = att_n

        att_col = lax.dot_general(eye, att_n, (((1,), (1,)), ((), ())),
                                  preferred_element_type=jnp.float32)
        pooled = jnp.max(x * att_col, axis=0, keepdims=True)

        conc = jnp.dot(pooled, linwT_ref[...],
                       preferred_element_type=jnp.float32) + linb_ref[...]
        conc = jnp.maximum(conc, 0.0)
        logits_ref[sidx] = jnp.dot(conc, outwT_ref[...],
                                   preferred_element_type=jnp.float32) + outb_ref[...]


def kernel(input_ids, attention_mask, emb, Wih_f, Whh_f, bih_f, bhh_f,
           Wih_b, Whh_b, bih_b, bhh_b, gW1, gss1, gst1, gb1, gW2, gss2,
           gst2, gb2, ctx, linW, linb, outW, outb):
    ids_tm = input_ids.T.reshape(L * B).astype(jnp.int32)
    idx2d = ids_tm.reshape(L * B // 128, 128)

    wihf_t = Wih_f.T
    wihb_t = Wih_b.T
    bf = (bih_f + bhh_f).reshape(1, 4 * H)
    bb = (bih_b + bhh_b).reshape(1, 4 * H)
    wblk = jnp.zeros((2 * H, 8 * H), jnp.float32)
    wblk = wblk.at[0:H, 0:4 * H].set(Whh_f.T)
    wblk = wblk.at[H:2 * H, 4 * H:8 * H].set(Whh_b.T)

    eye8 = jnp.eye(NH, dtype=jnp.float32)
    gs = (gss1[0][:, :, None] * eye8[:, None, :]).reshape(NH * FO, NH)
    gt = (gst1[0][:, :, None] * eye8[:, None, :]).reshape(NH * FO, NH)
    gsT = gs.T
    g2t = gW2 * gst2.reshape(())
    g2sT = (gW2 * gss2.reshape(())).T
    ctxT = ctx.reshape(1, L)
    mask3 = attention_mask.reshape(B, 1, L).astype(jnp.float32)
    gb1r = gb1.reshape(1, NH * FO)

    h_emb = _sc_embedding_gather(emb, idx2d)

    h_seq_tm = pl.pallas_call(
        _lstm_kernel,
        out_shape=jax.ShapeDtypeStruct((L, B, 2 * H), jnp.float32),
        scratch_shapes=[
            pltpu.VMEM((L * B, 4 * H), jnp.float32),
            pltpu.VMEM((L * B, 4 * H), jnp.float32),
        ],
    )(h_emb, wihf_t, wihb_t, wblk, bf, bb)

    h2 = h_seq_tm.reshape(L, B * 2 * H)

    ncls = outW.shape[0]
    att3, logits3 = pl.pallas_call(
        _gat_kernel,
        grid=(B // SPG,),
        in_specs=[
            pl.BlockSpec((L, SPG * 2 * H), lambda b: (0, b)),
            pl.BlockSpec((2 * H, NH * FO), lambda b: (0, 0)),
            pl.BlockSpec((NH * FO, NH), lambda b: (0, 0)),
            pl.BlockSpec((NH, NH * FO), lambda b: (0, 0)),
            pl.BlockSpec((1, NH * FO), lambda b: (0, 0)),
            pl.BlockSpec((NH * FO, 1), lambda b: (0, 0)),
            pl.BlockSpec((1, NH * FO), lambda b: (0, 0)),
            pl.BlockSpec((1, L), lambda b: (0, 0)),
            pl.BlockSpec((SPG, 1, L), lambda b: (b, 0, 0)),
            pl.BlockSpec((2 * H, B), lambda b: (0, 0)),
            pl.BlockSpec((1, B), lambda b: (0, 0)),
            pl.BlockSpec((B, ncls), lambda b: (0, 0)),
            pl.BlockSpec((1, ncls), lambda b: (0, 0)),
        ],
        out_specs=[
            pl.BlockSpec((SPG, 1, L), lambda b: (b, 0, 0)),
            pl.BlockSpec((SPG, 1, ncls), lambda b: (b, 0, 0)),
        ],
        out_shape=[
            jax.ShapeDtypeStruct((B, 1, L), jnp.float32),
            jax.ShapeDtypeStruct((B, 1, ncls), jnp.float32),
        ],
    )(h2, gW1, gt, gsT, gb1r, g2t, g2sT, ctxT, mask3,
      linW.T, linb.reshape(1, B), outW.T, outb.reshape(1, ncls))

    att = att3.reshape(B, L)
    logits = logits3.reshape(B, ncls)

    return logits, att

# --- scband reference (transcript-rebuilt; emitter-appended) ---
"""Pipeline reference for scband-bi-gat-rnn-10960756539875 (READ-ONLY COPY).

The authoritative reference and input builder live on the scoring server;
editing this copy changes nothing except your own understanding.
"""

import jax, jax.numpy as jnp
import numpy as np

V = 100000; D = 128; H = 64; L = 128; B = 64; NC = 2

_PARAM_SHAPES = [
    ("emb", (V, D)), ("Wih_f", (4 * H, D)), ("Whh_f", (4 * H, H)), ("bih_f", (4 * H,)), ("bhh_f", (4 * H,)),
    ("Wih_b", (4 * H, D)), ("Whh_b", (4 * H, H)), ("bih_b", (4 * H,)), ("bhh_b", (4 * H,)),
    ("gW1", (2 * H, 64)), ("gss1", (1, 8, 8)), ("gst1", (1, 8, 8)), ("gb1", (64,)),
    ("gW2", (64, 1)), ("gss2", (1, 1, 1)), ("gst2", (1, 1, 1)), ("gb2", (1,)),
    ("ctx", (L, 1)), ("linW", (B, 2 * H)), ("linb", (B,)), ("outW", (NC, B)), ("outb", (NC,)),
]

def setup_inputs(seed: int = 0):
    key = jax.random.key(seed)
    ks = jax.random.split(key, len(_PARAM_SHAPES) + 2)
    inp = {}
    inp["input_ids"] = jax.random.randint(ks[0], (B, L), 0, V)
    inp["attention_mask"] = jnp.ones((B, L), dtype=bool)
    for i, (n, sh) in enumerate(_PARAM_SHAPES):
        inp[n] = jax.random.normal(ks[i + 2], sh, jnp.float32) * 0.05
    return inp

def _lstm_dir(x, Wih, Whh, bih, bhh, reverse):
    xs = jnp.swapaxes(x, 0, 1)  # [L, B, D]
    h0 = jnp.zeros((x.shape[0], H), x.dtype)
    c0 = h0
    def step(carry, xt):
        h, c = carry
        g = xt @ Wih.T + h @ Whh.T + bih + bhh
        i, f, gg, o = jnp.split(g, 4, axis=-1)
        c = jax.nn.sigmoid(f) * c + jax.nn.sigmoid(i) * jnp.tanh(gg)
        h = jax.nn.sigmoid(o) * jnp.tanh(c)
        return (h, c), h
    _, hs = jax.lax.scan(step, (h0, c0), xs, reverse=reverse)
    return jnp.swapaxes(hs, 0, 1)  # [B, L, H]

def _gat_layer(x, src, dst, W, ss, st, b, nh, fo, act):
    N = x.shape[0]
    proj = (x @ W).reshape(N, nh, fo)
    sc = jax.nn.leaky_relu((proj * ss).sum(-1)[src] + (proj * st).sum(-1)[dst], 0.2)
    mx = jax.ops.segment_max(sc, dst, num_segments=N)
    e = jnp.exp(sc - mx[dst])
    den = jax.ops.segment_sum(e, dst, num_segments=N)
    att = e / (den[dst] + 1e-16)
    out = jax.ops.segment_sum(proj[src] * att[:, :, None], dst, num_segments=N)
    out = out.reshape(N, nh * fo) + b
    if act:
        out = jax.nn.elu(out)
    return out, att

def _forward(emb, Wih_f, Whh_f, bih_f, bhh_f, Wih_b, Whh_b, bih_b, bhh_b,
             gW1, gss1, gst1, gb1, gW2, gss2, gst2, gb2, ctx, linW, linb, outW, outb,
             input_ids, attention_mask):
    h_emb = emb[input_ids]  # embedding gather [B, L, D]
    hf = _lstm_dir(h_emb, Wih_f, Whh_f, bih_f, bhh_f, False)
    hb = _lstm_dir(h_emb, Wih_b, Whh_b, bih_b, bhh_b, True)
    h_seq = jnp.concatenate([hf, hb], axis=-1)  # [B, L, 2H]
    # fully-connected per-sample graph: torch.ones(L,L).nonzero().T => row-major (src,dst)
    src = jnp.repeat(jnp.arange(L), L)
    dst = jnp.tile(jnp.arange(L), L)
    def per_sample(x):
        h1, _ = _gat_layer(x, src, dst, gW1, gss1, gst1, gb1, 8, 8, True)   # layer1: 8 heads, F_out=8, ELU
        _, a2 = _gat_layer(h1, src, dst, gW2, gss2, gst2, gb2, 1, 1, False)  # layer2: 1 head, F_out=1
        return a2.reshape(L, L)
    att = jax.vmap(per_sample)(h_seq)  # [B, L, L]
    att = (att.reshape(-1, 2 * H) @ ctx).reshape(-1, L)  # [B, L] (uses max_length == 2*hidden)
    att = jnp.where(attention_mask, att, -jnp.inf)
    att = jax.nn.softmax(att, axis=1)
    weighted = h_seq * att[:, :, None]
    pooled = jnp.max(weighted, axis=1)  # [B, 2H]
    conc = jax.nn.relu(pooled @ linW.T + linb)
    logits = conc @ outW.T + outb
    return logits, att

def reference(input_ids, attention_mask, emb, Wih_f, Whh_f, bih_f, bhh_f, Wih_b, Whh_b, bih_b, bhh_b,
              gW1, gss1, gst1, gb1, gW2, gss2, gst2, gb2, ctx, linW, linb, outW, outb):
    return _forward(emb, Wih_f, Whh_f, bih_f, bhh_f, Wih_b, Whh_b, bih_b, bhh_b,
                    gW1, gss1, gst1, gb1, gW2, gss2, gst2, gb2, ctx, linW, linb, outW, outb,
                    input_ids, attention_mask)

if __name__ == "__main__":
    import jax
    _d = setup_inputs()
    print(jax.jit(kernel)(*tuple(_d.values())))

</pallas_src>

<mosaic_0001>
#map = affine_map<(d0, d1) -> (0, 0)>
module attributes {stable_mosaic.version = 14 : i64} {
  func.func @gather_kernel(%arg0: i32, %arg1: i32, %arg2: memref<100000x128xf32, #tpu.memory_space<hbm>>, %arg3: memref<64x128xi32, #tpu.memory_space<hbm>>, %arg4: memref<8192x128xf32, #tpu.memory_space<hbm>>, %arg5: memref<2x128xi32, #tpu.memory_space<vmem>>, %arg6: memref<128x128xf32, #tpu.memory_space<vmem>>, %arg7: memref<128x128xf32, #tpu.memory_space<vmem>>, %arg8: memref<!tpu.dma_semaphore, #tpu.memory_space<semaphore_mem>>, %arg9: memref<!tpu.dma_semaphore, #tpu.memory_space<semaphore_mem>>) attributes {dimension_semantics = [#tpu.dimension_semantics<core_parallel>, #tpu.dimension_semantics<subcore_parallel>], iteration_bounds = array<i64: 2, 16>, scalar_prefetch = 0 : i64, scratch_operands = 5 : i64, tpu.core_type = #tpu.core_type<sc_vector_subcore>, window_params = [{transform_indices = #map}, {transform_indices = #map}, {transform_indices = #map}]} {
    %mul3A = arith.constant 2 : i32
    %mul3A_0 = arith.muli %arg1, %mul3A : i32
    %add3A = arith.addi %mul3A_0, %arg0 : i32
    %mul3A_1 = arith.constant 2 : i32
    %mul3A_2 = arith.muli %add3A, %mul3A_1 : i32
    "tpu.region"() ({
      %run_scoped3A = tpu.sem_alloc : memref<!tpu.dma_semaphore, #tpu.memory_space<semaphore_mem>>
      %dma_start3A_39 = arith.constant 0 : i32
      %dma_start3A_40 = tpu.memref_slice %arg3[%mul3A_2, %dma_start3A_39] : memref<64x128xi32, #tpu.memory_space<hbm>> -> memref<2x128xi32, #tpu.memory_space<hbm>>
      %dma_start3A_41 = arith.constant 0 : i32
      %dma_start3A_42 = tpu.memref_slice %arg3[%mul3A_2, %dma_start3A_41] : memref<64x128xi32, #tpu.memory_space<hbm>> -> memref<2x128xi32, #tpu.memory_space<hbm>>
      tpu.enqueue_dma source(%dma_start3A_42 : memref<2x128xi32, #tpu.memory_space<hbm>>) target(%arg5 : memref<2x128xi32, #tpu.memory_space<vmem>>) target_semaphore(%run_scoped3A : memref<!tpu.dma_semaphore, #tpu.memory_space<semaphore_mem>>)
      %dma_wait3A_43 = arith.constant 0 : i32
      %dma_wait3A_44 = tpu.memref_slice %arg3[%mul3A_2, %dma_wait3A_43] : memref<64x128xi32, #tpu.memory_space<hbm>> -> memref<2x128xi32, #tpu.memory_space<hbm>>
      %dma_wait3A_45 = arith.constant 0 : i32
      %dma_wait3A_46 = tpu.memref_slice %arg3[%mul3A_2, %dma_wait3A_45] : memref<64x128xi32, #tpu.memory_space<hbm>> -> memref<2x128xi32, #tpu.memory_space<hbm>>
      tpu.wait_dma2 semaphore(%run_scoped3A : memref<!tpu.dma_semaphore, #tpu.memory_space<semaphore_mem>>) src(%dma_wait3A_46 : memref<2x128xi32, #tpu.memory_space<hbm>>) dst(%arg5 : memref<2x128xi32, #tpu.memory_space<vmem>>)
      tpu.yield
    }) : () -> ()
    %dma_start3A = arith.constant 0 : i32
    %dma_start3A_3 = arith.constant 0 : i32
    %dma_start3A_4 = tpu.memref_slice %arg5[%dma_start3A, %dma_start3A_3] : memref<2x128xi32, #tpu.memory_space<vmem>> -> memref<1x128xi32, #tpu.memory_space<vmem>>
    %dma_start3A_5 = tpu.memref_squeeze %dma_start3A_4 : memref<1x128xi32, #tpu.memory_space<vmem>> -> memref<128xi32, #tpu.memory_space<vmem>>
    %dma_start3A_6 = arith.constant 0 : i32
    %dma_start3A_7 = arith.constant 0 : i32
    %dma_start3A_8 = tpu.memref_slice %arg2[%dma_start3A_6, %dma_start3A_7] : memref<100000x128xf32, #tpu.memory_space<hbm>> -> memref<100000x128xf32, #tpu.memory_space<hbm>>
    tpu.enqueue_indirect_dma source(%dma_start3A_8 : memref<100000x128xf32, #tpu.memory_space<hbm>>) target(%arg6 : memref<128x128xf32, #tpu.memory_space<vmem>>) offsets(%dma_start3A_5 : memref<128xi32, #tpu.memory_space<vmem>>) semaphore(%arg8 : memref<!tpu.dma_semaphore, #tpu.memory_space<semaphore_mem>>)
    %dma_start3A_9 = arith.constant 1 : i32
    %dma_start3A_10 = arith.constant 0 : i32
    %dma_start3A_11 = tpu.memref_slice %arg5[%dma_start3A_9, %dma_start3A_10] : memref<2x128xi32, #tpu.memory_space<vmem>> -> memref<1x128xi32, #tpu.memory_space<vmem>>
    %dma_start3A_12 = tpu.memref_squeeze %dma_start3A_11 : memref<1x128xi32, #tpu.memory_space<vmem>> -> memref<128xi32, #tpu.memory_space<vmem>>
    %dma_start3A_13 = arith.constant 0 : i32
    %dma_start3A_14 = arith.constant 0 : i32
    %dma_start3A_15 = tpu.memref_slice %arg2[%dma_start3A_13, %dma_start3A_14] : memref<100000x128xf32, #tpu.memory_space<hbm>> -> memref<100000x128xf32, #tpu.memory_space<hbm>>
    tpu.enqueue_indirect_dma source(%dma_start3A_15 : memref<100000x128xf32, #tpu.memory_space<hbm>>) target(%arg7 : memref<128x128xf32, #tpu.memory_space<vmem>>) offsets(%dma_start3A_12 : memref<128xi32, #tpu.memory_space<vmem>>) semaphore(%arg9 : memref<!tpu.dma_semaphore, #tpu.memory_space<semaphore_mem>>)
    %dma_wait3A = arith.constant 0 : i32
    %dma_wait3A_16 = arith.constant 0 : i32
    %dma_wait3A_17 = tpu.memref_slice %arg5[%dma_wait3A, %dma_wait3A_16] : memref<2x128xi32, #tpu.memory_space<vmem>> -> memref<1x128xi32, #tpu.memory_space<vmem>>
    %dma_wait3A_18 = tpu.memref_squeeze %dma_wait3A_17 : memref<1x128xi32, #tpu.memory_space<vmem>> -> memref<128xi32, #tpu.memory_space<vmem>>
    %dma_wait3A_19 = arith.constant 0 : i32
    %dma_wait3A_20 = arith.constant 0 : i32
    %dma_wait3A_21 = tpu.memref_slice %arg2[%dma_wait3A_19, %dma_wait3A_20] : memref<100000x128xf32, #tpu.memory_space<hbm>> -> memref<100000x128xf32, #tpu.memory_space<hbm>>
    tpu.wait_indirect_dma semaphore(%arg8 : memref<!tpu.dma_semaphore, #tpu.memory_space<semaphore_mem>>) src(%dma_wait3A_21 : memref<100000x128xf32, #tpu.memory_space<hbm>>) dst(%arg6 : memref<128x128xf32, #tpu.memory_space<vmem>>)
    %mul3A_22 = arith.constant 2 : i32
    %mul3A_23 = arith.muli %add3A, %mul3A_22 : i32
    %mul3A_24 = arith.constant 128 : i32
    %mul3A_25 = arith.muli %mul3A_23, %mul3A_24 : i32
    "tpu.region"() ({
      %run_scoped3A = tpu.sem_alloc : memref<!tpu.dma_semaphore, #tpu.memory_space<semaphore_mem>>
      %dma_start3A_39 = arith.constant 0 : i32
      %dma_start3A_40 = tpu.memref_slice %arg4[%mul3A_25, %dma_start3A_39] : memref<8192x128xf32, #tpu.memory_space<hbm>> -> memref<128x128xf32, #tpu.memory_space<hbm>>
      %dma_start3A_41 = arith.constant 0 : i32
      %dma_start3A_42 = tpu.memref_slice %arg4[%mul3A_25, %dma_start3A_41] : memref<8192x128xf32, #tpu.memory_space<hbm>> -> memref<128x128xf32, #tpu.memory_space<hbm>>
      tpu.enqueue_dma source(%arg6 : memref<128x128xf32, #tpu.memory_space<vmem>>) target(%dma_start3A_42 : memref<128x128xf32, #tpu.memory_space<hbm>>) target_semaphore(%run_scoped3A : memref<!tpu.dma_semaphore, #tpu.memory_space<semaphore_mem>>)
      %dma_wait3A_43 = arith.constant 0 : i32
      %dma_wait3A_44 = tpu.memref_slice %arg4[%mul3A_25, %dma_wait3A_43] : memref<8192x128xf32, #tpu.memory_space<hbm>> -> memref<128x128xf32, #tpu.memory_space<hbm>>
      %dma_wait3A_45 = arith.constant 0 : i32
      %dma_wait3A_46 = tpu.memref_slice %arg4[%mul3A_25, %dma_wait3A_45] : memref<8192x128xf32, #tpu.memory_space<hbm>> -> memref<128x128xf32, #tpu.memory_space<hbm>>
      tpu.wait_dma2 semaphore(%run_scoped3A : memref<!tpu.dma_semaphore, #tpu.memory_space<semaphore_mem>>) src(%arg6 : memref<128x128xf32, #tpu.memory_space<vmem>>) dst(%dma_wait3A_46 : memref<128x128xf32, #tpu.memory_space<hbm>>)
      tpu.yield
    }) : () -> ()
    %dma_wait3A_26 = arith.constant 1 : i32
    %dma_wait3A_27 = arith.constant 0 : i32
    %dma_wait3A_28 = tpu.memref_slice %arg5[%dma_wait3A_26, %dma_wait3A_27] : memref<2x128xi32, #tpu.memory_space<vmem>> -> memref<1x128xi32, #tpu.memory_space<vmem>>
    %dma_wait3A_29 = tpu.memref_squeeze %dma_wait3A_28 : memref<1x128xi32, #tpu.memory_space<vmem>> -> memref<128xi32, #tpu.memory_space<vmem>>
    %dma_wait3A_30 = arith.constant 0 : i32
    %dma_wait3A_31 = arith.constant 0 : i32
    %dma_wait3A_32 = tpu.memref_slice %arg2[%dma_wait3A_30, %dma_wait3A_31] : memref<100000x128xf32, #tpu.memory_space<hbm>> -> memref<100000x128xf32, #tpu.memory_space<hbm>>
    tpu.wait_indirect_dma semaphore(%arg9 : memref<!tpu.dma_semaphore, #tpu.memory_space<semaphore_mem>>) src(%dma_wait3A_32 : memref<100000x128xf32, #tpu.memory_space<hbm>>) dst(%arg7 : memref<128x128xf32, #tpu.memory_space<vmem>>)
    %mul3A_33 = arith.constant 2 : i32
    %mul3A_34 = arith.muli %add3A, %mul3A_33 : i32
    %add3A_35 = arith.constant 1 : i32
    %add3A_36 = arith.addi %mul3A_34, %add3A_35 : i32
    %mul3A_37 = arith.constant 128 : i32
    %mul3A_38 = arith.muli %add3A_36, %mul3A_37 : i32
    "tpu.region"() ({
      %run_scoped3A = tpu.sem_alloc : memref<!tpu.dma_semaphore, #tpu.memory_space<semaphore_mem>>
      %dma_start3A_39 = arith.constant 0 : i32
      %dma_start3A_40 = tpu.memref_slice %arg4[%mul3A_38, %dma_start3A_39] : memref<8192x128xf32, #tpu.memory_space<hbm>> -> memref<128x128xf32, #tpu.memory_space<hbm>>
      %dma_start3A_41 = arith.constant 0 : i32
      %dma_start3A_42 = tpu.memref_slice %arg4[%mul3A_38, %dma_start3A_41] : memref<8192x128xf32, #tpu.memory_space<hbm>> -> memref<128x128xf32, #tpu.memory_space<hbm>>
      tpu.enqueue_dma source(%arg7 : memref<128x128xf32, #tpu.memory_space<vmem>>) target(%dma_start3A_42 : memref<128x128xf32, #tpu.memory_space<hbm>>) target_semaphore(%run_scoped3A : memref<!tpu.dma_semaphore, #tpu.memory_space<semaphore_mem>>)
      %dma_wait3A_43 = arith.constant 0 : i32
      %dma_wait3A_44 = tpu.memref_slice %arg4[%mul3A_38, %dma_wait3A_43] : memref<8192x128xf32, #tpu.memory_space<hbm>> -> memref<128x128xf32, #tpu.memory_space<hbm>>
      %dma_wait3A_45 = arith.constant 0 : i32
      %dma_wait3A_46 = tpu.memref_slice %arg4[%mul3A_38, %dma_wait3A_45] : memref<8192x128xf32, #tpu.memory_space<hbm>> -> memref<128x128xf32, #tpu.memory_space<hbm>>
      tpu.wait_dma2 semaphore(%run_scoped3A : memref<!tpu.dma_semaphore, #tpu.memory_space<semaphore_mem>>) src(%arg7 : memref<128x128xf32, #tpu.memory_space<vmem>>) dst(%dma_wait3A_46 : memref<128x128xf32, #tpu.memory_space<hbm>>)
      tpu.yield
    }) : () -> ()
    return
  }
}

module attributes {stable_mosaic.version = 14 : i64} {
  func.func @_lstm_kernel(%arg0: memref<8192x128xf32, #tpu.memory_space<vmem>>, %arg1: memref<128x256xf32, #tpu.memory_space<vmem>>, %arg2: memref<128x256xf32, #tpu.memory_space<vmem>>, %arg3: memref<128x512xf32, #tpu.memory_space<vmem>>, %arg4: memref<1x256xf32, #tpu.memory_space<vmem>>, %arg5: memref<1x256xf32, #tpu.memory_space<vmem>>, %arg6: memref<128x64x128xf32, #tpu.memory_space<vmem>>, %arg7: memref<8192x256xf32, #tpu.memory_space<vmem>>, %arg8: memref<8192x256xf32, #tpu.memory_space<vmem>>) attributes {dimension_semantics = [], scalar_prefetch = 0 : i64, scratch_operands = 2 : i64, tpu.core_type = #tpu.core_type<tc>} {
    %get3A = arith.constant 0 : index
    %get3A_0 = arith.constant 0 : index
    %get3A_1 = vector.load %arg0[%get3A, %get3A_0] : memref<8192x128xf32, #tpu.memory_space<vmem>>, vector<8192x128xf32>
    %get3A_2 = arith.constant 0 : index
    %get3A_3 = arith.constant 0 : index
    %get3A_4 = vector.load %arg1[%get3A_2, %get3A_3] : memref<128x256xf32, #tpu.memory_space<vmem>>, vector<128x256xf32>
    %dot_general3A = arith.constant dense<0.000000e+00> : vector<8192x256xf32>
    %dot_general3A_5 = tpu.matmul %get3A_1, %get3A_4, %dot_general3A {dimension_numbers = #tpu.dot_dimension_numbers<[1], [0], [0], [1], [0, 0, 1, 1], [], []>, transpose_lhs_hint = false} : vector<8192x128xf32>, vector<128x256xf32>, vector<8192x256xf32> -> vector<8192x256xf32>
    %get3A_6 = arith.constant 0 : index
    %get3A_7 = arith.constant 0 : index
    %get3A_8 = vector.load %arg4[%get3A_6, %get3A_7] : memref<1x256xf32, #tpu.memory_space<vmem>>, vector<1x256xf32>
    %add3A = vector.broadcast %get3A_8 : vector<1x256xf32> to vector<8192x256xf32>
    %add3A_9 = arith.addf %dot_general3A_5, %add3A : vector<8192x256xf32>
    %swap3A = arith.constant 0 : index
    %swap3A_10 = arith.constant 0 : index
    %swap3A_11 = vector.load %arg7[%swap3A, %swap3A_10] : memref<8192x256xf32, #tpu.memory_space<vmem>>, vector<8192x256xf32>
    tpu.vector_store %arg7[%swap3A, %swap3A_10], %add3A_9 {strides = array<i32>} : memref<8192x256xf32, #tpu.memory_space<vmem>>, vector<8192x256xf32>,
    %get3A_12 = arith.constant 0 : index
    %get3A_13 = arith.constant 0 : index
    %get3A_14 = vector.load %arg0[%get3A_12, %get3A_13] : memref<8192x128xf32, #tpu.memory_space<vmem>>, vector<8192x128xf32>
    %get3A_15 = arith.constant 0 : index
    %get3A_16 = arith.constant 0 : index
    %get3A_17 = vector.load %arg2[%get3A_15, %get3A_16] : memref<128x256xf32, #tpu.memory_space<vmem>>, vector<128x256xf32>
    %dot_general3A_18 = arith.constant dense<0.000000e+00> : vector<8192x256xf32>
    %dot_general3A_19 = tpu.matmul %get3A_14, %get3A_17, %dot_general3A_18 {dimension_numbers = #tpu.dot_dimension_numbers<[1], [0], [0], [1], [0, 0, 1, 1], [], []>, transpose_lhs_hint = false} : vector<8192x128xf32>, vector<128x256xf32>, vector<8192x256xf32> -> vector<8192x256xf32>
    %get3A_20 = arith.constant 0 : index
    %get3A_21 = arith.constant 0 : index
    %get3A_22 = vector.load %arg5[%get3A_20, %get3A_21] : memref<1x256xf32, #tpu.memory_space<vmem>>, vector<1x256xf32>
    %add3A_23 = vector.broadcast %get3A_22 : vector<1x256xf32> to vector<8192x256xf32>
    %add3A_24 = arith.addf %dot_general3A_19, %add3A_23 : vector<8192x256xf32>
    %swap3A_25 = arith.constant 0 : index
    %swap3A_26 = arith.constant 0 : index
    %swap3A_27 = vector.load %arg8[%swap3A_25, %swap3A_26] : memref<8192x256xf32, #tpu.memory_space<vmem>>, vector<8192x256xf32>
    tpu.vector_store %arg8[%swap3A_25, %swap3A_26], %add3A_24 {strides = array<i32>} : memref<8192x256xf32, #tpu.memory_space<vmem>>, vector<8192x256xf32>,
    %broadcast_in_dim3A = arith.constant 0.000000e+00 : f32
    %broadcast_in_dim3A_28 = vector.broadcast %broadcast_in_dim3A : f32 to vector<64x128xf32>
    %scan3A = arith.constant 0 : i32
    %scan3A_29 = arith.constant 128 : i32
    %scan3A_30 = arith.addi %scan3A, %scan3A_29 : i32
    %scan3A_31 = arith.constant 1 : i32
    %scan3A_32:2 = scf.for %scan3A_34 = %scan3A to %scan3A_30 step %scan3A_31 iter_args(%scan3A_35 = %broadcast_in_dim3A_28, %scan3A_36 = %broadcast_in_dim3A_28) -> (vector<64x128xf32>, vector<64x128xf32>)  : i32 {
      %mul3A = arith.constant 64 : i32
      %mul3A_37 = arith.muli %scan3A_34, %mul3A : i32
      %get3A_38 = arith.index_cast %mul3A_37 : i32 to index
      %get3A_39 = arith.constant 0 : index
      %get3A_40 = vector.load %arg7[%get3A_38, %get3A_39] : memref<8192x256xf32, #tpu.memory_space<vmem>>, vector<64x256xf32>
      %sub3A = arith.constant 127 : i32
      %sub3A_41 = arith.subi %sub3A, %scan3A_34 : i32
      %mul3A_42 = arith.constant 64 : i32
      %mul3A_43 = arith.muli %sub3A_41, %mul3A_42 : i32
      %get3A_44 = arith.index_cast %mul3A_43 : i32 to index
      %get3A_45 = arith.constant 0 : index
      %get3A_46 = vector.load %arg8[%get3A_44, %get3A_45] : memref<8192x256xf32, #tpu.memory_space<vmem>>, vector<64x256xf32>
      %concatenate3A = tpu.concatenate %get3A_40, %get3A_46 in 1 : vector<64x256xf32>, vector<64x256xf32> -> vector<64x512xf32>
      %get3A_47 = arith.constant 0 : index
      %get3A_48 = arith.constant 0 : index
      %get3A_49 = vector.load %arg3[%get3A_47, %get3A_48] : memref<128x512xf32, #tpu.memory_space<vmem>>, vector<128x512xf32>
      %dot_general3A_50 = arith.constant dense<0.000000e+00> : vector<64x512xf32>
      %dot_general3A_51 = tpu.matmul %scan3A_35, %get3A_49, %dot_general3A_50 {dimension_numbers = #tpu.dot_dimension_numbers<[1], [0], [0], [1], [0, 0, 1, 1], [], []>, transpose_lhs_hint = false} : vector<64x128xf32>, vector<128x512xf32>, vector<64x512xf32> -> vector<64x512xf32>
      %add3A_52 = arith.addf %concatenate3A, %dot_general3A_51 : vector<64x512xf32>
      %slice3A = vector.extract_strided_slice %add3A_52 {offsets = [0, 0], sizes = [64, 64], strides = [1, 1]} : vector<64x512xf32> to vector<64x64xf32>
      %slice3A_53 = vector.extract_strided_slice %add3A_52 {offsets = [0, 256], sizes = [64, 64], strides = [1, 1]} : vector<64x512xf32> to vector<64x64xf32>
      %concatenate3A_54 = tpu.concatenate %slice3A, %slice3A_53 in 1 : vector<64x64xf32>, vector<64x64xf32> -> vector<64x128xf32>
      %slice3A_55 = vector.extract_strided_slice %add3A_52 {offsets = [0, 64], sizes = [64, 64], strides = [1, 1]} : vector<64x512xf32> to vector<64x64xf32>
      %slice3A_56 = vector.extract_strided_slice %add3A_52 {offsets = [0, 320], sizes = [64, 64], strides = [1, 1]} : vector<64x512xf32> to vector<64x64xf32>
      %concatenate3A_57 = tpu.concatenate %slice3A_55, %slice3A_56 in 1 : vector<64x64xf32>, vector<64x64xf32> -> vector<64x128xf32>
      %slice3A_58 = vector.extract_strided_slice %add3A_52 {offsets = [0, 128], sizes = [64, 64], strides = [1, 1]} : vector<64x512xf32> to vector<64x64xf32>
      %slice3A_59 = vector.extract_strided_slice %add3A_52 {offsets = [0, 384], sizes = [64, 64], strides = [1, 1]} : vector<64x512xf32> to vector<64x64xf32>
      %concatenate3A_60 = tpu.concatenate %slice3A_58, %slice3A_59 in 1 : vector<64x64xf32>, vector<64x64xf32> -> vector<64x128xf32>
      %slice3A_61 = vector.extract_strided_slice %add3A_52 {offsets = [0, 192], sizes = [64, 64], strides = [1, 1]} : vector<64x512xf32> to vector<64x64xf32>
      %slice3A_62 = vector.extract_strided_slice %add3A_52 {offsets = [0, 448], sizes = [64, 64], strides = [1, 1]} : vector<64x512xf32> to vector<64x64xf32>
      %concatenate3A_63 = tpu.concatenate %slice3A_61, %slice3A_62 in 1 : vector<64x64xf32>, vector<64x64xf32> -> vector<64x128xf32>
      %neg3A = arith.constant 0.000000e+00 : f32
      %neg3A_64 = vector.broadcast %neg3A : f32 to vector<64x128xf32>
      %neg3A_65 = arith.subf %neg3A_64, %concatenate3A_57 : vector<64x128xf32>
      %exp3A = math.exp %neg3A_65 : vector<64x128xf32>
      %add3A_66 = arith.constant 1.000000e+00 : f32
      %add3A_67 = vector.broadcast %add3A_66 : f32 to vector<64x128xf32>
      %add3A_68 = arith.addf %add3A_67, %exp3A : vector<64x128xf32>
      %div3A = arith.constant 1.000000e+00 : f32
      %div3A_69 = vector.broadcast %div3A : f32 to vector<64x128xf32>
      %div3A_70 = arith.divf %div3A_69, %add3A_68 : vector<64x128xf32>
      %mul3A_71 = arith.mulf %div3A_70, %scan3A_36 : vector<64x128xf32>
      %neg3A_72 = arith.constant 0.000000e+00 : f32
      %neg3A_73 = vector.broadcast %neg3A_72 : f32 to vector<64x128xf32>
      %neg3A_74 = arith.subf %neg3A_73, %concatenate3A_54 : vector<64x128xf32>
      %exp3A_75 = math.exp %neg3A_74 : vector<64x128xf32>
      %add3A_76 = arith.constant 1.000000e+00 : f32
      %add3A_77 = vector.broadcast %add3A_76 : f32 to vector<64x128xf32>
      %add3A_78 = arith.addf %add3A_77, %exp3A_75 : vector<64x128xf32>
      %div3A_79 = arith.constant 1.000000e+00 : f32
      %div3A_80 = vector.broadcast %div3A_79 : f32 to vector<64x128xf32>
      %div3A_81 = arith.divf %div3A_80, %add3A_78 : vector<64x128xf32>
      %tanh3A = math.tanh %concatenate3A_60 : vector<64x128xf32>
      %mul3A_82 = arith.mulf %div3A_81, %tanh3A : vector<64x128xf32>
      %add3A_83 = arith.addf %mul3A_71, %mul3A_82 : vector<64x128xf32>
      %neg3A_84 = arith.constant 0.000000e+00 : f32
      %neg3A_85 = vector.broadcast %neg3A_84 : f32 to vector<64x128xf32>
      %neg3A_86 = arith.subf %neg3A_85, %concatenate3A_63 : vector<64x128xf32>
      %exp3A_87 = math.exp %neg3A_86 : vector<64x128xf32>
      %add3A_88 = arith.constant 1.000000e+00 : f32
      %add3A_89 = vector.broadcast %add3A_88 : f32 to vector<64x128xf32>
      %add3A_90 = arith.addf %add3A_89, %exp3A_87 : vector<64x128xf32>
      %div3A_91 = arith.constant 1.000000e+00 : f32
      %div3A_92 = vector.broadcast %div3A_91 : f32 to vector<64x128xf32>
      %div3A_93 = arith.divf %div3A_92, %add3A_90 : vector<64x128xf32>
      %tanh3A_94 = math.tanh %add3A_83 : vector<64x128xf32>
      %mul3A_95 = arith.mulf %div3A_93, %tanh3A_94 : vector<64x128xf32>
      %slice3A_96 = vector.extract_strided_slice %mul3A_95 {offsets = [0, 0], sizes = [64, 64], strides = [1, 1]} : vector<64x128xf32> to vector<64x64xf32>
      %swap3A_97 = arith.index_cast %scan3A_34 : i32 to index
      %swap3A_98 = arith.constant 0 : index
      %swap3A_99 = arith.constant 0 : index
      %swap3A_100 = vector.load %arg6[%swap3A_97, %swap3A_98, %swap3A_99] : memref<128x64x128xf32, #tpu.memory_space<vmem>>, vector<1x64x64xf32>
      %swap3A_101 = vector.shape_cast %swap3A_100 : vector<1x64x64xf32> to vector<64x64xf32>
      %swap3A_102 = vector.shape_cast %slice3A_96 : vector<64x64xf32> to vector<1x64x64xf32>
      tpu.vector_store %arg6[%swap3A_97, %swap3A_98, %swap3A_99], %swap3A_102 {strides = array<i32>} : memref<128x64x128xf32, #tpu.memory_space<vmem>>, vector<1x64x64xf32>,
      %slice3A_103 = vector.extract_strided_slice %mul3A_95 {offsets = [0, 64], sizes = [64, 64], strides = [1, 1]} : vector<64x128xf32> to vector<64x64xf32>
      %sub3A_104 = arith.constant 127 : i32
      %sub3A_105 = arith.subi %sub3A_104, %scan3A_34 : i32
      %swap3A_106 = arith.index_cast %sub3A_105 : i32 to index
      %swap3A_107 = arith.constant 0 : index
      %swap3A_108 = arith.constant 64 : index
      %swap3A_109 = vector.load %arg6[%swap3A_106, %swap3A_107, %swap3A_108] : memref<128x64x128xf32, #tpu.memory_space<vmem>>, vector<1x64x64xf32>
      %swap3A_110 = vector.shape_cast %swap3A_109 : vector<1x64x64xf32> to vector<64x64xf32>
      %swap3A_111 = vector.shape_cast %slice3A_103 : vector<64x64xf32> to vector<1x64x64xf32>
      tpu.vector_store %arg6[%swap3A_106, %swap3A_107, %swap3A_108], %swap3A_111 {strides = array<i32>} : memref<128x64x128xf32, #tpu.memory_space<vmem>>, vector<1x64x64xf32>,
      scf.yield %mul3A_95, %add3A_83 : vector<64x128xf32>, vector<64x128xf32>
    }
    %scan3A_33 = arith.constant 128 : i32
    return
  }
}

module attributes {stable_mosaic.version = 14 : i64} {
  func.func @_gat_kernel(%arg0: i32, %arg1: memref<128x512xf32, #tpu.memory_space<vmem>>, %arg2: memref<128x64xf32, #tpu.memory_space<vmem>>, %arg3: memref<64x8xf32, #tpu.memory_space<vmem>>, %arg4: memref<8x64xf32, #tpu.memory_space<vmem>>, %arg5: memref<1x64xf32, #tpu.memory_space<vmem>>, %arg6: memref<64x1xf32, #tpu.memory_space<vmem>>, %arg7: memref<1x64xf32, #tpu.memory_space<vmem>>, %arg8: memref<1x128xf32, #tpu.memory_space<vmem>>, %arg9: memref<4x1x128xf32, #tpu.memory_space<vmem>>, %arg10: memref<128x64xf32, #tpu.memory_space<vmem>>, %arg11: memref<1x64xf32, #tpu.memory_space<vmem>>, %arg12: memref<64x2xf32, #tpu.memory_space<vmem>>, %arg13: memref<1x2xf32, #tpu.memory_space<vmem>>, %arg14: memref<4x1x128xf32, #tpu.memory_space<vmem>>, %arg15: memref<4x1x2xf32, #tpu.memory_space<vmem>>) attributes {dimension_semantics = [#tpu.dimension_semantics<arbitrary>], iteration_bounds = array<i64: 16>, scalar_prefetch = 0 : i64, scratch_operands = 0 : i64, tpu.core_type = #tpu.core_type<tc>, window_params = [{transform_indices = @transform_0, window_bounds = array<i64: 128, 512>}, {pipeline_mode = #tpu.pipeline_mode<synchronous>, transform_indices = @transform_1, window_bounds = array<i64: 128, 64>}, {pipeline_mode = #tpu.pipeline_mode<synchronous>, transform_indices = @transform_2, window_bounds = array<i64: 64, 8>}, {pipeline_mode = #tpu.pipeline_mode<synchronous>, transform_indices = @transform_3, window_bounds = array<i64: 8, 64>}, {pipeline_mode = #tpu.pipeline_mode<synchronous>, transform_indices = @transform_4, window_bounds = array<i64: 1, 64>}, {pipeline_mode = #tpu.pipeline_mode<synchronous>, transform_indices = @transform_5, window_bounds = array<i64: 64, 1>}, {pipeline_mode = #tpu.pipeline_mode<synchronous>, transform_indices = @transform_6, window_bounds = array<i64: 1, 64>}, {pipeline_mode = #tpu.pipeline_mode<synchronous>, transform_indices = @transform_7, window_bounds = array<i64: 1, 128>}, {transform_indices = @transform_8, window_bounds = array<i64: 4, 1, 128>}, {pipeline_mode = #tpu.pipeline_mode<synchronous>, transform_indices = @transform_9, window_bounds = array<i64: 128, 64>}, {pipeline_mode = #tpu.pipeline_mode<synchronous>, transform_indices = @transform_10, window_bounds = array<i64: 1, 64>}, {pipeline_mode = #tpu.pipeline_mode<synchronous>, transform_indices = @transform_11, window_bounds = array<i64: 64, 2>}, {pipeline_mode = #tpu.pipeline_mode<synchronous>, transform_indices = @transform_12, window_bounds = array<i64: 1, 2>}, {transform_indices = @transform_13, window_bounds = array<i64: 4, 1, 128>}, {transform_indices = @transform_14, window_bounds = array<i64: 4, 1, 2>}]} {
    %iota3A = tpu.iota {dimensions = array<i32: 0>} : vector<128x128xi32>
    %iota3A_0 = tpu.iota {dimensions = array<i32: 1>} : vector<128x128xi32>
    %eq3A = arith.cmpi eq, %iota3A, %iota3A_0 : vector<128x128xi32>
    %convert_element_type3A = arith.extui %eq3A : vector<128x128xi1> to vector<128x128xi32>
    %convert_element_type3A_1 = arith.sitofp %convert_element_type3A : vector<128x128xi32> to vector<128x128xf32>
    %get3A = arith.constant 0 : index
    %get3A_2 = arith.constant 0 : index
    %get3A_3 = vector.load %arg1[%get3A, %get3A_2] : memref<128x512xf32, #tpu.memory_space<vmem>>, vector<128x128xf32>
    %get3A_4 = arith.constant 0 : index
    %get3A_5 = arith.constant 0 : index
    %get3A_6 = vector.load %arg2[%get3A_4, %get3A_5] : memref<128x64xf32, #tpu.memory_space<vmem>>, vector<128x64xf32>
    %dot_general3A = arith.constant dense<0.000000e+00> : vector<128x64xf32>
    %dot_general3A_7 = tpu.matmul %get3A_3, %get3A_6, %dot_general3A {dimension_numbers = #tpu.dot_dimension_numbers<[1], [0], [0], [1], [0, 0, 1, 1], [], []>, transpose_lhs_hint = false} : vector<128x128xf32>, vector<128x64xf32>, vector<128x64xf32> -> vector<128x64xf32>
    %get3A_8 = arith.constant 0 : index
    %get3A_9 = arith.constant 0 : index
    %get3A_10 = vector.load %arg3[%get3A_8, %get3A_9] : memref<64x8xf32, #tpu.memory_space<vmem>>, vector<64x8xf32>
    %dot_general3A_11 = arith.constant dense<0.000000e+00> : vector<128x8xf32>
    %dot_general3A_12 = tpu.matmul %dot_general3A_7, %get3A_10, %dot_general3A_11 {dimension_numbers = #tpu.dot_dimension_numbers<[1], [0], [0], [1], [0, 0, 1, 1], [], []>, transpose_lhs_hint = false} : vector<128x64xf32>, vector<64x8xf32>, vector<128x8xf32> -> vector<128x8xf32>
    %get3A_13 = arith.constant 0 : index
    %get3A_14 = arith.constant 0 : index
    %get3A_15 = vector.load %arg4[%get3A_13, %get3A_14] : memref<8x64xf32, #tpu.memory_space<vmem>>, vector<8x64xf32>
    %dot_general3A_16 = arith.constant dense<0.000000e+00> : vector<8x128xf32>
    %dot_general3A_17 = tpu.matmul %get3A_15, %dot_general3A_7, %dot_general3A_16 {dimension_numbers = #tpu.dot_dimension_numbers<[1], [1], [0], [0], [0, 0, 1, 0], [], []>, transpose_lhs_hint = false} : vector<8x64xf32>, vector<128x64xf32>, vector<8x128xf32> -> vector<8x128xf32>
    %slice3A = vector.extract_strided_slice %dot_general3A_12 {offsets = [0, 0], sizes = [128, 1], strides = [1, 1]} : vector<128x8xf32> to vector<128x1xf32>
    %slice3A_18 = vector.extract_strided_slice %dot_general3A_17 {offsets = [0, 0], sizes = [1, 128], strides = [1, 1]} : vector<8x128xf32> to vector<1x128xf32>
    %add3A = vector.broadcast %slice3A : vector<128x1xf32> to vector<128x128xf32>
    %add3A_19 = vector.broadcast %slice3A_18 : vector<1x128xf32> to vector<128x128xf32>
    %add3A_20 = arith.addf %add3A, %add3A_19 : vector<128x128xf32>
    %ge3A = arith.constant 0.000000e+00 : f32
    %ge3A_21 = vector.broadcast %ge3A : f32 to vector<128x128xf32>
    %ge3A_22 = arith.cmpf oge, %add3A_20, %ge3A_21 : vector<128x128xf32>
    %mul3A = arith.constant 2.000000e-01 : f32
    %mul3A_23 = vector.broadcast %mul3A : f32 to vector<128x128xf32>
    %mul3A_24 = arith.mulf %mul3A_23, %add3A_20 : vector<128x128xf32>
    %select_n3A = arith.select %ge3A_22, %add3A_20, %mul3A_24 : vector<128x128xi1>, vector<128x128xf32>
    %reduce_max3A = arith.constant dense<0xFF800000> : vector<128xf32>
    %reduce_max3A_25 = vector.multi_reduction <maximumf>, %select_n3A, %reduce_max3A [1] : vector<128x128xf32> to vector<128xf32>
    %broadcast_in_dim3A = vector.shape_cast %reduce_max3A_25 : vector<128xf32> to vector<128x1xf32>
    %sub3A = vector.broadcast %broadcast_in_dim3A : vector<128x1xf32> to vector<128x128xf32>
    %sub3A_26 = arith.subf %select_n3A, %sub3A : vector<128x128xf32>
    %exp3A = math.exp %sub3A_26 : vector<128x128xf32>
    %reduce_sum3A = arith.constant dense<0.000000e+00> : vector<128xf32>
    %reduce_sum3A_27 = vector.multi_reduction <add>, %exp3A, %reduce_sum3A [1] : vector<128x128xf32> to vector<128xf32>
    %broadcast_in_dim3A_28 = vector.shape_cast %reduce_sum3A_27 : vector<128xf32> to vector<128x1xf32>
    %add3A_29 = arith.constant 1.000000e-16 : f32
    %add3A_30 = vector.broadcast %add3A_29 : f32 to vector<128x1xf32>
    %add3A_31 = arith.addf %broadcast_in_dim3A_28, %add3A_30 : vector<128x1xf32>
    %div3A = vector.broadcast %add3A_31 : vector<128x1xf32> to vector<128x128xf32>
    %div3A_32 = arith.divf %exp3A, %div3A : vector<128x128xf32>
    %slice3A_33 = vector.extract_strided_slice %dot_general3A_7 {offsets = [0, 0], sizes = [128, 8], strides = [1, 1]} : vector<128x64xf32> to vector<128x8xf32>
    %dot_general3A_34 = arith.constant dense<0.000000e+00> : vector<128x8xf32>
    %dot_general3A_35 = tpu.matmul %div3A_32, %slice3A_33, %dot_general3A_34 {dimension_numbers = #tpu.dot_dimension_numbers<[1], [0], [0], [1], [0, 0, 1, 1], [], []>, transpose_lhs_hint = false} : vector<128x128xf32>, vector<128x8xf32>, vector<128x8xf32> -> vector<128x8xf32>
    %slice3A_36 = vector.extract_strided_slice %dot_general3A_12 {offsets = [0, 1], sizes = [128, 1], strides = [1, 1]} : vector<128x8xf32> to vector<128x1xf32>
    %slice3A_37 = vector.extract_strided_slice %dot_general3A_17 {offsets = [1, 0], sizes = [1, 128], strides = [1, 1]} : vector<8x128xf32> to vector<1x128xf32>
    %add3A_38 = vector.broadcast %slice3A_36 : vector<128x1xf32> to vector<128x128xf32>
    %add3A_39 = vector.broadcast %slice3A_37 : vector<1x128xf32> to vector<128x128xf32>
    %add3A_40 = arith.addf %add3A_38, %add3A_39 : vector<128x128xf32>
    %ge3A_41 = arith.constant 0.000000e+00 : f32
    %ge3A_42 = vector.broadcast %ge3A_41 : f32 to vector<128x128xf32>
    %ge3A_43 = arith.cmpf oge, %add3A_40, %ge3A_42 : vector<128x128xf32>
    %mul3A_44 = arith.constant 2.000000e-01 : f32
    %mul3A_45 = vector.broadcast %mul3A_44 : f32 to vector<128x128xf32>
    %mul3A_46 = arith.mulf %mul3A_45, %add3A_40 : vector<128x128xf32>
    %select_n3A_47 = arith.select %ge3A_43, %add3A_40, %mul3A_46 : vector<128x128xi1>, vector<128x128xf32>
    %reduce_max3A_48 = arith.constant dense<0xFF800000> : vector<128xf32>
    %reduce_max3A_49 = vector.multi_reduction <maximumf>, %select_n3A_47, %reduce_max3A_48 [1] : vector<128x128xf32> to vector<128xf32>
    %broadcast_in_dim3A_50 = vector.shape_cast %reduce_max3A_49 : vector<128xf32> to vector<128x1xf32>
    %sub3A_51 = vector.broadcast %broadcast_in_dim3A_50 : vector<128x1xf32> to vector<128x128xf32>
    %sub3A_52 = arith.subf %select_n3A_47, %sub3A_51 : vector<128x128xf32>
    %exp3A_53 = math.exp %sub3A_52 : vector<128x128xf32>
    %reduce_sum3A_54 = arith.constant dense<0.000000e+00> : vector<128xf32>
    %reduce_sum3A_55 = vector.multi_reduction <add>, %exp3A_53, %reduce_sum3A_54 [1] : vector<128x128xf32> to vector<128xf32>
    %broadcast_in_dim3A_56 = vector.shape_cast %reduce_sum3A_55 : vector<128xf32> to vector<128x1xf32>
    %add3A_57 = arith.constant 1.000000e-16 : f32
    %add3A_58 = vector.broadcast %add3A_57 : f32 to vector<128x1xf32>
    %add3A_59 = arith.addf %broadcast_in_dim3A_56, %add3A_58 : vector<128x1xf32>
    %div3A_60 = vector.broadcast %add3A_59 : vector<128x1xf32> to vector<128x128xf32>
    %div3A_61 = arith.divf %exp3A_53, %div3A_60 : vector<128x128xf32>
    %slice3A_62 = vector.extract_strided_slice %dot_general3A_7 {offsets = [0, 8], sizes = [128, 8], strides = [1, 1]} : vector<128x64xf32> to vector<128x8xf32>
    %dot_general3A_63 = arith.constant dense<0.000000e+00> : vector<128x8xf32>
    %dot_general3A_64 = tpu.matmul %div3A_61, %slice3A_62, %dot_general3A_63 {dimension_numbers = #tpu.dot_dimension_numbers<[1], [0], [0], [1], [0, 0, 1, 1], [], []>, transpose_lhs_hint = false} : vector<128x128xf32>, vector<128x8xf32>, vector<128x8xf32> -> vector<128x8xf32>
    %slice3A_65 = vector.extract_strided_slice %dot_general3A_12 {offsets = [0, 2], sizes = [128, 1], strides = [1, 1]} : vector<128x8xf32> to vector<128x1xf32>
    %slice3A_66 = vector.extract_strided_slice %dot_general3A_17 {offsets = [2, 0], sizes = [1, 128], strides = [1, 1]} : vector<8x128xf32> to vector<1x128xf32>
    %add3A_67 = vector.broadcast %slice3A_65 : vector<128x1xf32> to vector<128x128xf32>
    %add3A_68 = vector.broadcast %slice3A_66 : vector<1x128xf32> to vector<128x128xf32>
    %add3A_69 = arith.addf %add3A_67, %add3A_68 : vector<128x128xf32>
    %ge3A_70 = arith.constant 0.000000e+00 : f32
    %ge3A_71 = vector.broadcast %ge3A_70 : f32 to vector<128x128xf32>
    %ge3A_72 = arith.cmpf oge, %add3A_69, %ge3A_71 : vector<128x128xf32>
    %mul3A_73 = arith.constant 2.000000e-01 : f32
    %mul3A_74 = vector.broadcast %mul3A_73 : f32 to vector<128x128xf32>
    %mul3A_75 = arith.mulf %mul3A_74, %add3A_69 : vector<128x128xf32>
    %select_n3A_76 = arith.select %ge3A_72, %add3A_69, %mul3A_75 : vector<128x128xi1>, vector<128x128xf32>
    %reduce_max3A_77 = arith.constant dense<0xFF800000> : vector<128xf32>
    %reduce_max3A_78 = vector.multi_reduction <maximumf>, %select_n3A_76, %reduce_max3A_77 [1] : vector<128x128xf32> to vector<128xf32>
    %broadcast_in_dim3A_79 = vector.shape_cast %reduce_max3A_78 : vector<128xf32> to vector<128x1xf32>
    %sub3A_80 = vector.broadcast %broadcast_in_dim3A_79 : vector<128x1xf32> to vector<128x128xf32>
    %sub3A_81 = arith.subf %select_n3A_76, %sub3A_80 : vector<128x128xf32>
    %exp3A_82 = math.exp %sub3A_81 : vector<128x128xf32>
    %reduce_sum3A_83 = arith.constant dense<0.000000e+00> : vector<128xf32>
    %reduce_sum3A_84 = vector.multi_reduction <add>, %exp3A_82, %reduce_sum3A_83 [1] : vector<128x128xf32> to vector<128xf32>
    %broadcast_in_dim3A_85 = vector.shape_cast %reduce_sum3A_84 : vector<128xf32> to vector<128x1xf32>
    %add3A_86 = arith.constant 1.000000e-16 : f32
    %add3A_87 = vector.broadcast %add3A_86 : f32 to vector<128x1xf32>
    %add3A_88 = arith.addf %broadcast_in_dim3A_85, %add3A_87 : vector<128x1xf32>
    %div3A_89 = vector.broadcast %add3A_88 : vector<128x1xf32> to vector<128x128xf32>
    %div3A_90 = arith.divf %exp3A_82, %div3A_89 : vector<128x128xf32>
    %slice3A_91 = vector.extract_strided_slice %dot_general3A_7 {offsets = [0, 16], sizes = [128, 8], strides = [1, 1]} : vector<128x64xf32> to vector<128x8xf32>
    %dot_general3A_92 = arith.constant dense<0.000000e+00> : vector<128x8xf32>
    %dot_general3A_93 = tpu.matmul %div3A_90, %slice3A_91, %dot_general3A_92 {dimension_numbers = #tpu.dot_dimension_numbers<[1], [0], [0], [1], [0, 0, 1, 1], [], []>, transpose_lhs_hint = false} : vector<128x128xf32>, vector<128x8xf32>, vector<128x8xf32> -> vector<128x8xf32>
    %slice3A_94 = vector.extract_strided_slice %dot_general3A_12 {offsets = [0, 3], sizes = [128, 1], strides = [1, 1]} : vector<128x8xf32> to vector<128x1xf32>
    %slice3A_95 = vector.extract_strided_slice %dot_general3A_17 {offsets = [3, 0], sizes = [1, 128], strides = [1, 1]} : vector<8x128xf32> to vector<1x128xf32>
    %add3A_96 = vector.broadcast %slice3A_94 : vector<128x1xf32> to vector<128x128xf32>
    %add3A_97 = vector.broadcast %slice3A_95 : vector<1x128xf32> to vector<128x128xf32>
    %add3A_98 = arith.addf %add3A_96, %add3A_97 : vector<128x128xf32>
    %ge3A_99 = arith.constant 0.000000e+00 : f32
    %ge3A_100 = vector.broadcast %ge3A_99 : f32 to vector<128x128xf32>
    %ge3A_101 = arith.cmpf oge, %add3A_98, %ge3A_100 : vector<128x128xf32>
    %mul3A_102 = arith.constant 2.000000e-01 : f32
    %mul3A_103 = vector.broadcast %mul3A_102 : f32 to vector<128x128xf32>
    %mul3A_104 = arith.mulf %mul3A_103, %add3A_98 : vector<128x128xf32>
    %select_n3A_105 = arith.select %ge3A_101, %add3A_98, %mul3A_104 : vector<128x128xi1>, vector<128x128xf32>
    %reduce_max3A_106 = arith.constant dense<0xFF800000> : vector<128xf32>
    %reduce_max3A_107 = vector.multi_reduction <maximumf>, %select_n3A_105, %reduce_max3A_106 [1] : vector<128x128xf32> to vector<128xf32>
    %broadcast_in_dim3A_108 = vector.shape_cast %reduce_max3A_107 : vector<128xf32> to vector<128x1xf32>
    %sub3A_109 = vector.broadcast %broadcast_in_dim3A_108 : vector<128x1xf32> to vector<128x128xf32>
    %sub3A_110 = arith.subf %select_n3A_105, %sub3A_109 : vector<128x128xf32>
    %exp3A_111 = math.exp %sub3A_110 : vector<128x128xf32>
    %reduce_sum3A_112 = arith.constant dense<0.000000e+00> : vector<128xf32>
    %reduce_sum3A_113 = vector.multi_reduction <add>, %exp3A_111, %reduce_sum3A_112 [1] : vector<128x128xf32> to vector<128xf32>
    %broadcast_in_dim3A_114 = vector.shape_cast %reduce_sum3A_113 : vector<128xf32> to vector<128x1xf32>
    %add3A_115 = arith.constant 1.000000e-16 : f32
    %add3A_116 = vector.broadcast %add3A_115 : f32 to vector<128x1xf32>
    %add3A_117 = arith.addf %broadcast_in_dim3A_114, %add3A_116 : vector<128x1xf32>
    %div3A_118 = vector.broadcast %add3A_117 : vector<128x1xf32> to vector<128x128xf32>
    %div3A_119 = arith.divf %exp3A_111, %div3A_118 : vector<128x128xf32>
    %slice3A_120 = vector.extract_strided_slice %dot_general3A_7 {offsets = [0, 24], sizes = [128, 8], strides = [1, 1]} : vector<128x64xf32> to vector<128x8xf32>
    %dot_general3A_121 = arith.constant dense<0.000000e+00> : vector<128x8xf32>
    %dot_general3A_122 = tpu.matmul %div3A_119, %slice3A_120, %dot_general3A_121 {dimension_numbers = #tpu.dot_dimension_numbers<[1], [0], [0], [1], [0, 0, 1, 1], [], []>, transpose_lhs_hint = false} : vector<128x128xf32>, vector<128x8xf32>, vector<128x8xf32> -> vector<128x8xf32>
    %slice3A_123 = vector.extract_strided_slice %dot_general3A_12 {offsets = [0, 4], sizes = [128, 1], strides = [1, 1]} : vector<128x8xf32> to vector<128x1xf32>
    %slice3A_124 = vector.extract_strided_slice %dot_general3A_17 {offsets = [4, 0], sizes = [1, 128], strides = [1, 1]} : vector<8x128xf32> to vector<1x128xf32>
    %add3A_125 = vector.broadcast %slice3A_123 : vector<128x1xf32> to vector<128x128xf32>
    %add3A_126 = vector.broadcast %slice3A_124 : vector<1x128xf32> to vector<128x128xf32>
    %add3A_127 = arith.addf %add3A_125, %add3A_126 : vector<128x128xf32>
    %ge3A_128 = arith.constant 0.000000e+00 : f32
    %ge3A_129 = vector.broadcast %ge3A_128 : f32 to vector<128x128xf32>
    %ge3A_130 = arith.cmpf oge, %add3A_127, %ge3A_129 : vector<128x128xf32>
    %mul3A_131 = arith.constant 2.000000e-01 : f32
    %mul3A_132 = vector.broadcast %mul3A_131 : f32 to vector<128x128xf32>
    %mul3A_133 = arith.mulf %mul3A_132, %add3A_127 : vector<128x128xf32>
    %select_n3A_134 = arith.select %ge3A_130, %add3A_127, %mul3A_133 : vector<128x128xi1>, vector<128x128xf32>
    %reduce_max3A_135 = arith.constant dense<0xFF800000> : vector<128xf32>
    %reduce_max3A_136 = vector.multi_reduction <maximumf>, %select_n3A_134, %reduce_max3A_135 [1] : vector<128x128xf32> to vector<128xf32>
    %broadcast_in_dim3A_137 = vector.shape_cast %reduce_max3A_136 : vector<128xf32> to vector<128x1xf32>
    %sub3A_138 = vector.broadcast %broadcast_in_dim3A_137 : vector<128x1xf32> to vector<128x128xf32>
    %sub3A_139 = arith.subf %select_n3A_134, %sub3A_138 : vector<128x128xf32>
    %exp3A_140 = math.exp %sub3A_139 : vector<128x128xf32>
    %reduce_sum3A_141 = arith.constant dense<0.000000e+00> : vector<128xf32>
    %reduce_sum3A_142 = vector.multi_reduction <add>, %exp3A_140, %reduce_sum3A_141 [1] : vector<128x128xf32> to vector<128xf32>
    %broadcast_in_dim3A_143 = vector.shape_cast %reduce_sum3A_142 : vector<128xf32> to vector<128x1xf32>
    %add3A_144 = arith.constant 1.000000e-16 : f32
    %add3A_145 = vector.broadcast %add3A_144 : f32 to vector<128x1xf32>
    %add3A_146 = arith.addf %broadcast_in_dim3A_143, %add3A_145 : vector<128x1xf32>
    %div3A_147 = vector.broadcast %add3A_146 : vector<128x1xf32> to vector<128x128xf32>
    %div3A_148 = arith.divf %exp3A_140, %div3A_147 : vector<128x128xf32>
    %slice3A_149 = vector.extract_strided_slice %dot_general3A_7 {offsets = [0, 32], sizes = [128, 8], strides = [1, 1]} : vector<128x64xf32> to vector<128x8xf32>
    %dot_general3A_150 = arith.constant dense<0.000000e+00> : vector<128x8xf32>
    %dot_general3A_151 = tpu.matmul %div3A_148, %slice3A_149, %dot_general3A_150 {dimension_numbers = #tpu.dot_dimension_numbers<[1], [0], [0], [1], [0, 0, 1, 1], [], []>, transpose_lhs_hint = false} : vector<128x128xf32>, vector<128x8xf32>, vector<128x8xf32> -> vector<128x8xf32>
    %slice3A_152 = vector.extract_strided_slice %dot_general3A_12 {offsets = [0, 5], sizes = [128, 1], strides = [1, 1]} : vector<128x8xf32> to vector<128x1xf32>
    %slice3A_153 = vector.extract_strided_slice %dot_general3A_17 {offsets = [5, 0], sizes = [1, 128], strides = [1, 1]} : vector<8x128xf32> to vector<1x128xf32>
    %add3A_154 = vector.broadcast %slice3A_152 : vector<128x1xf32> to vector<128x128xf32>
    %add3A_155 = vector.broadcast %slice3A_153 : vector<1x128xf32> to vector<128x128xf32>
    %add3A_156 = arith.addf %add3A_154, %add3A_155 : vector<128x128xf32>
    %ge3A_157 = arith.constant 0.000000e+00 : f32
    %ge3A_158 = vector.broadcast %ge3A_157 : f32 to vector<128x128xf32>
    %ge3A_159 = arith.cmpf oge, %add3A_156, %ge3A_158 : vector<128x128xf32>
    %mul3A_160 = arith.constant 2.000000e-01 : f32
    %mul3A_161 = vector.broadcast %mul3A_160 : f32 to vector<128x128xf32>
    %mul3A_162 = arith.mulf %mul3A_161, %add3A_156 : vector<128x128xf32>
    %select_n3A_163 = arith.select %ge3A_159, %add3A_156, %mul3A_162 : vector<128x128xi1>, vector<128x128xf32>
    %reduce_max3A_164 = arith.constant dense<0xFF800000> : vector<128xf32>
    %reduce_max3A_165 = vector.multi_reduction <maximumf>, %select_n3A_163, %reduce_max3A_164 [1] : vector<128x128xf32> to vector<128xf32>
    %broadcast_in_dim3A_166 = vector.shape_cast %reduce_max3A_165 : vector<128xf32> to vector<128x1xf32>
    %sub3A_167 = vector.broadcast %broadcast_in_dim3A_166 : vector<128x1xf32> to vector<128x128xf32>
    %sub3A_168 = arith.subf %select_n3A_163, %sub3A_167 : vector<128x128xf32>
    %exp3A_169 = math.exp %sub3A_168 : vector<128x128xf32>
    %reduce_sum3A_170 = arith.constant dense<0.000000e+00> : vector<128xf32>
    %reduce_sum3A_171 = vector.multi_reduction <add>, %exp3A_169, %reduce_sum3A_170 [1] : vector<128x128xf32> to vector<128xf32>
    %broadcast_in_dim3A_172 = vector.shape_cast %reduce_sum3A_171 : vector<128xf32> to vector<128x1xf32>
    %add3A_173 = arith.constant 1.000000e-16 : f32
    %add3A_174 = vector.broadcast %add3A_173 : f32 to vector<128x1xf32>
    %add3A_175 = arith.addf %broadcast_in_dim3A_172, %add3A_174 : vector<128x1xf32>
    %div3A_176 = vector.broadcast %add3A_175 : vector<128x1xf32> to vector<128x128xf32>
    %div3A_177 = arith.divf %exp3A_169, %div3A_176 : vector<128x128xf32>
    %slice3A_178 = vector.extract_strided_slice %dot_general3A_7 {offsets = [0, 40], sizes = [128, 8], strides = [1, 1]} : vector<128x64xf32> to vector<128x8xf32>
    %dot_general3A_179 = arith.constant dense<0.000000e+00> : vector<128x8xf32>
    %dot_general3A_180 = tpu.matmul %div3A_177, %slice3A_178, %dot_general3A_179 {dimension_numbers = #tpu.dot_dimension_numbers<[1], [0], [0], [1], [0, 0, 1, 1], [], []>, transpose_lhs_hint = false} : vector<128x128xf32>, vector<128x8xf32>, vector<128x8xf32> -> vector<128x8xf32>
    %slice3A_181 = vector.extract_strided_slice %dot_general3A_12 {offsets = [0, 6], sizes = [128, 1], strides = [1, 1]} : vector<128x8xf32> to vector<128x1xf32>
    %slice3A_182 = vector.extract_strided_slice %dot_general3A_17 {offsets = [6, 0], sizes = [1, 128], strides = [1, 1]} : vector<8x128xf32> to vector<1x128xf32>
    %add3A_183 = vector.broadcast %slice3A_181 : vector<128x1xf32> to vector<128x128xf32>
    %add3A_184 = vector.broadcast %slice3A_182 : vector<1x128xf32> to vector<128x128xf32>
    %add3A_185 = arith.addf %add3A_183, %add3A_184 : vector<128x128xf32>
    %ge3A_186 = arith.constant 0.000000e+00 : f32
    %ge3A_187 = vector.broadcast %ge3A_186 : f32 to vector<128x128xf32>
    %ge3A_188 = arith.cmpf oge, %add3A_185, %ge3A_187 : vector<128x128xf32>
    %mul3A_189 = arith.constant 2.000000e-01 : f32
    %mul3A_190 = vector.broadcast %mul3A_189 : f32 to vector<128x128xf32>
    %mul3A_191 = arith.mulf %mul3A_190, %add3A_185 : vector<128x128xf32>
    %select_n3A_192 = arith.select %ge3A_188, %add3A_185, %mul3A_191 : vector<128x128xi1>, vector<128x128xf32>
    %reduce_max3A_193 = arith.constant dense<0xFF800000> : vector<128xf32>
    %reduce_max3A_194 = vector.multi_reduction <maximumf>, %select_n3A_192, %reduce_max3A_193 [1] : vector<128x128xf32> to vector<128xf32>
    %broadcast_in_dim3A_195 = vector.shape_cast %reduce_max3A_194 : vector<128xf32> to vector<128x1xf32>
    %sub3A_196 = vector.broadcast %broadcast_in_dim3A_195 : vector<128x1xf32> to vector<128x128xf32>
    %sub3A_197 = arith.subf %select_n3A_192, %sub3A_196 : vector<128x128xf32>
    %exp3A_198 = math.exp %sub3A_197 : vector<128x128xf32>
    %reduce_sum3A_199 = arith.constant dense<0.000000e+00> : vector<128xf32>
    %reduce_sum3A_200 = vector.multi_reduction <add>, %exp3A_198, %reduce_sum3A_199 [1] : vector<128x128xf32> to vector<128xf32>
    %broadcast_in_dim3A_201 = vector.shape_cast %reduce_sum3A_200 : vector<128xf32> to vector<128x1xf32>
    %add3A_202 = arith.constant 1.000000e-16 : f32
    %add3A_203 = vector.broadcast %add3A_202 : f32 to vector<128x1xf32>
    %add3A_204 = arith.addf %broadcast_in_dim3A_201, %add3A_203 : vector<128x1xf32>
    %div3A_205 = vector.broadcast %add3A_204 : vector<128x1xf32> to vector<128x128xf32>
    %div3A_206 = arith.divf %exp3A_198, %div3A_205 : vector<128x128xf32>
    %slice3A_207 = vector.extract_strided_slice %dot_general3A_7 {offsets = [0, 48], sizes = [128, 8], strides = [1, 1]} : vector<128x64xf32> to vector<128x8xf32>
    %dot_general3A_208 = arith.constant dense<0.000000e+00> : vector<128x8xf32>
    %dot_general3A_209 = tpu.matmul %div3A_206, %slice3A_207, %dot_general3A_208 {dimension_numbers = #tpu.dot_dimension_numbers<[1], [0], [0], [1], [0, 0, 1, 1], [], []>, transpose_lhs_hint = false} : vector<128x128xf32>, vector<128x8xf32>, vector<128x8xf32> -> vector<128x8xf32>
    %slice3A_210 = vector.extract_strided_slice %dot_general3A_12 {offsets = [0, 7], sizes = [128, 1], strides = [1, 1]} : vector<128x8xf32> to vector<128x1xf32>
    %slice3A_211 = vector.extract_strided_slice %dot_general3A_17 {offsets = [7, 0], sizes = [1, 128], strides = [1, 1]} : vector<8x128xf32> to vector<1x128xf32>
    %add3A_212 = vector.broadcast %slice3A_210 : vector<128x1xf32> to vector<128x128xf32>
    %add3A_213 = vector.broadcast %slice3A_211 : vector<1x128xf32> to vector<128x128xf32>
    %add3A_214 = arith.addf %add3A_212, %add3A_213 : vector<128x128xf32>
    %ge3A_215 = arith.constant 0.000000e+00 : f32
    %ge3A_216 = vector.broadcast %ge3A_215 : f32 to vector<128x128xf32>
    %ge3A_217 = arith.cmpf oge, %add3A_214, %ge3A_216 : vector<128x128xf32>
    %mul3A_218 = arith.constant 2.000000e-01 : f32
    %mul3A_219 = vector.broadcast %mul3A_218 : f32 to vector<128x128xf32>
    %mul3A_220 = arith.mulf %mul3A_219, %add3A_214 : vector<128x128xf32>
    %select_n3A_221 = arith.select %ge3A_217, %add3A_214, %mul3A_220 : vector<128x128xi1>, vector<128x128xf32>
    %reduce_max3A_222 = arith.constant dense<0xFF800000> : vector<128xf32>
    %reduce_max3A_223 = vector.multi_reduction <maximumf>, %select_n3A_221, %reduce_max3A_222 [1] : vector<128x128xf32> to vector<128xf32>
    %broadcast_in_dim3A_224 = vector.shape_cast %reduce_max3A_223 : vector<128xf32> to vector<128x1xf32>
    %sub3A_225 = vector.broadcast %broadcast_in_dim3A_224 : vector<128x1xf32> to vector<128x128xf32>
    %sub3A_226 = arith.subf %select_n3A_221, %sub3A_225 : vector<128x128xf32>
    %exp3A_227 = math.exp %sub3A_226 : vector<128x128xf32>
    %reduce_sum3A_228 = arith.constant dense<0.000000e+00> : vector<128xf32>
    %reduce_sum3A_229 = vector.multi_reduction <add>, %exp3A_227, %reduce_sum3A_228 [1] : vector<128x128xf32> to vector<128xf32>
    %broadcast_in_dim3A_230 = vector.shape_cast %reduce_sum3A_229 : vector<128xf32> to vector<128x1xf32>
    %add3A_231 = arith.constant 1.000000e-16 : f32
    %add3A_232 = vector.broadcast %add3A_231 : f32 to vector<128x1xf32>
    %add3A_233 = arith.addf %broadcast_in_dim3A_230, %add3A_232 : vector<128x1xf32>
    %div3A_234 = vector.broadcast %add3A_233 : vector<128x1xf32> to vector<128x128xf32>
    %div3A_235 = arith.divf %exp3A_227, %div3A_234 : vector<128x128xf32>
    %slice3A_236 = vector.extract_strided_slice %dot_general3A_7 {offsets = [0, 56], sizes = [128, 8], strides = [1, 1]} : vector<128x64xf32> to vector<128x8xf32>
    %dot_general3A_237 = arith.constant dense<0.000000e+00> : vector<128x8xf32>
    %dot_general3A_238 = tpu.matmul %div3A_235, %slice3A_236, %dot_general3A_237 {dimension_numbers = #tpu.dot_dimension_numbers<[1], [0], [0], [1], [0, 0, 1, 1], [], []>, transpose_lhs_hint = false} : vector<128x128xf32>, vector<128x8xf32>, vector<128x8xf32> -> vector<128x8xf32>
    %concatenate3A = tpu.concatenate %dot_general3A_35, %dot_general3A_64, %dot_general3A_93, %dot_general3A_122, %dot_general3A_151, %dot_general3A_180, %dot_general3A_209, %dot_general3A_238 in 1 : vector<128x8xf32>, vector<128x8xf32>, vector<128x8xf32>, vector<128x8xf32>, vector<128x8xf32>, vector<128x8xf32>, vector<128x8xf32>, vector<128x8xf32> -> vector<128x64xf32>
    %get3A_239 = arith.constant 0 : index
    %get3A_240 = arith.constant 0 : index
    %get3A_241 = vector.load %arg5[%get3A_239, %get3A_240] : memref<1x64xf32, #tpu.memory_space<vmem>>, vector<1x64xf32>
    %add3A_242 = vector.broadcast %get3A_241 : vector<1x64xf32> to vector<128x64xf32>
    %add3A_243 = arith.addf %concatenate3A, %add3A_242 : vector<128x64xf32>
    %gt3A = arith.constant 0.000000e+00 : f32
    %gt3A_244 = vector.broadcast %gt3A : f32 to vector<128x64xf32>
    %gt3A_245 = arith.cmpf ogt, %add3A_243, %gt3A_244 : vector<128x64xf32>
    %min3A = arith.constant 0.000000e+00 : f32
    %min3A_246 = vector.broadcast %min3A : f32 to vector<128x64xf32>
    %min3A_247 = arith.minimumf %add3A_243, %min3A_246 : vector<128x64xf32>
    %exp3A_248 = math.exp %min3A_247 : vector<128x64xf32>
    %sub3A_249 = arith.constant 1.000000e+00 : f32
    %sub3A_250 = vector.broadcast %sub3A_249 : f32 to vector<128x64xf32>
    %sub3A_251 = arith.subf %exp3A_248, %sub3A_250 : vector<128x64xf32>
    %select_n3A_252 = arith.select %gt3A_245, %add3A_243, %sub3A_251 : vector<128x64xi1>, vector<128x64xf32>
    %get3A_253 = arith.constant 0 : index
    %get3A_254 = arith.constant 0 : index
    %get3A_255 = vector.load %arg6[%get3A_253, %get3A_254] : memref<64x1xf32, #tpu.memory_space<vmem>>, vector<64x1xf32>
    %dot_general3A_256 = arith.constant dense<0.000000e+00> : vector<128x1xf32>
    %dot_general3A_257 = tpu.matmul %select_n3A_252, %get3A_255, %dot_general3A_256 {dimension_numbers = #tpu.dot_dimension_numbers<[1], [0], [0], [1], [0, 0, 1, 1], [], []>, transpose_lhs_hint = false} : vector<128x64xf32>, vector<64x1xf32>, vector<128x1xf32> -> vector<128x1xf32>
    %get3A_258 = arith.constant 0 : index
    %get3A_259 = arith.constant 0 : index
    %get3A_260 = vector.load %arg7[%get3A_258, %get3A_259] : memref<1x64xf32, #tpu.memory_space<vmem>>, vector<1x64xf32>
    %dot_general3A_261 = arith.constant dense<0.000000e+00> : vector<1x128xf32>
    %dot_general3A_262 = tpu.matmul %get3A_260, %select_n3A_252, %dot_general3A_261 {dimension_numbers = #tpu.dot_dimension_numbers<[1], [1], [0], [0], [0, 0, 1, 0], [], []>, transpose_lhs_hint = false} : vector<1x64xf32>, vector<128x64xf32>, vector<1x128xf32> -> vector<1x128xf32>
    %add3A_263 = vector.broadcast %dot_general3A_257 : vector<128x1xf32> to vector<128x128xf32>
    %add3A_264 = vector.broadcast %dot_general3A_262 : vector<1x128xf32> to vector<128x128xf32>
    %add3A_265 = arith.addf %add3A_263, %add3A_264 : vector<128x128xf32>
    %ge3A_266 = arith.constant 0.000000e+00 : f32
    %ge3A_267 = vector.broadcast %ge3A_266 : f32 to vector<128x128xf32>
    %ge3A_268 = arith.cmpf oge, %add3A_265, %ge3A_267 : vector<128x128xf32>
    %mul3A_269 = arith.constant 2.000000e-01 : f32
    %mul3A_270 = vector.broadcast %mul3A_269 : f32 to vector<128x128xf32>
    %mul3A_271 = arith.mulf %mul3A_270, %add3A_265 : vector<128x128xf32>
    %select_n3A_272 = arith.select %ge3A_268, %add3A_265, %mul3A_271 : vector<128x128xi1>, vector<128x128xf32>
    %reduce_max3A_273 = arith.constant dense<0xFF800000> : vector<128xf32>
    %reduce_max3A_274 = vector.multi_reduction <maximumf>, %select_n3A_272, %reduce_max3A_273 [1] : vector<128x128xf32> to vector<128xf32>
    %broadcast_in_dim3A_275 = vector.shape_cast %reduce_max3A_274 : vector<128xf32> to vector<128x1xf32>
    %sub3A_276 = vector.broadcast %broadcast_in_dim3A_275 : vector<128x1xf32> to vector<128x128xf32>
    %sub3A_277 = arith.subf %select_n3A_272, %sub3A_276 : vector<128x128xf32>
    %exp3A_278 = math.exp %sub3A_277 : vector<128x128xf32>
    %reduce_sum3A_279 = arith.constant dense<0.000000e+00> : vector<128xf32>
    %reduce_sum3A_280 = vector.multi_reduction <add>, %exp3A_278, %reduce_sum3A_279 [1] : vector<128x128xf32> to vector<128xf32>
    %broadcast_in_dim3A_281 = vector.shape_cast %reduce_sum3A_280 : vector<128xf32> to vector<128x1xf32>
    %add3A_282 = arith.constant 1.000000e-16 : f32
    %add3A_283 = vector.broadcast %add3A_282 : f32 to vector<128x1xf32>
    %add3A_284 = arith.addf %broadcast_in_dim3A_281, %add3A_283 : vector<128x1xf32>
    %div3A_285 = vector.broadcast %add3A_284 : vector<128x1xf32> to vector<128x128xf32>
    %div3A_286 = arith.divf %exp3A_278, %div3A_285 : vector<128x128xf32>
    %get3A_287 = arith.constant 0 : index
    %get3A_288 = arith.constant 0 : index
    %get3A_289 = vector.load %arg8[%get3A_287, %get3A_288] : memref<1x128xf32, #tpu.memory_space<vmem>>, vector<1x128xf32>
    %dot_general3A_290 = arith.constant dense<0.000000e+00> : vector<1x128xf32>
    %dot_general3A_291 = tpu.matmul %get3A_289, %div3A_286, %dot_general3A_290 {dimension_numbers = #tpu.dot_dimension_numbers<[1], [0], [0], [1], [0, 0, 1, 1], [], []>, transpose_lhs_hint = false} : vector<1x128xf32>, vector<128x128xf32>, vector<1x128xf32> -> vector<1x128xf32>
    %get3A_292 = arith.constant 0 : index
    %get3A_293 = arith.constant 0 : index
    %get3A_294 = arith.constant 0 : index
    %get3A_295 = vector.load %arg9[%get3A_292, %get3A_293, %get3A_294] : memref<4x1x128xf32, #tpu.memory_space<vmem>>, vector<1x1x128xf32>
    %get3A_296 = vector.shape_cast %get3A_295 : vector<1x1x128xf32> to vector<1x128xf32>
    %gt3A_297 = arith.constant 0.000000e+00 : f32
    %gt3A_298 = vector.broadcast %gt3A_297 : f32 to vector<1x128xf32>
    %gt3A_299 = arith.cmpf ogt, %get3A_296, %gt3A_298 : vector<1x128xf32>
    %jit3A = arith.constant 0xFF800000 : f32
    %broadcast_in_dim3A_300 = vector.broadcast %jit3A : f32 to vector<1x128xf32>
    %select_n3A_301 = arith.select %gt3A_299, %dot_general3A_291, %broadcast_in_dim3A_300 : vector<1x128xi1>, vector<1x128xf32>
    %reduce_max3A_302 = arith.constant dense<0xFF800000> : vector<1xf32>
    %reduce_max3A_303 = vector.multi_reduction <maximumf>, %select_n3A_301, %reduce_max3A_302 [1] : vector<1x128xf32> to vector<1xf32>
    %broadcast_in_dim3A_304 = vector.shape_cast %reduce_max3A_303 : vector<1xf32> to vector<1x1xf32>
    %sub3A_305 = vector.broadcast %broadcast_in_dim3A_304 : vector<1x1xf32> to vector<1x128xf32>
    %sub3A_306 = arith.subf %select_n3A_301, %sub3A_305 : vector<1x128xf32>
    %exp3A_307 = math.exp %sub3A_306 : vector<1x128xf32>
    %reduce_sum3A_308 = arith.constant dense<0.000000e+00> : vector<1xf32>
    %reduce_sum3A_309 = vector.multi_reduction <add>, %exp3A_307, %reduce_sum3A_308 [1] : vector<1x128xf32> to vector<1xf32>
    %broadcast_in_dim3A_310 = vector.shape_cast %reduce_sum3A_309 : vector<1xf32> to vector<1x1xf32>
    %div3A_311 = vector.broadcast %broadcast_in_dim3A_310 : vector<1x1xf32> to vector<1x128xf32>
    %div3A_312 = arith.divf %exp3A_307, %div3A_311 : vector<1x128xf32>
    %swap3A = arith.constant 0 : index
    %swap3A_313 = arith.constant 0 : index
    %swap3A_314 = arith.constant 0 : index
    %swap3A_315 = vector.load %arg14[%swap3A, %swap3A_313, %swap3A_314] : memref<4x1x128xf32, #tpu.memory_space<vmem>>, vector<1x1x128xf32>
    %swap3A_316 = vector.shape_cast %swap3A_315 : vector<1x1x128xf32> to vector<1x128xf32>
    %swap3A_317 = vector.shape_cast %div3A_312 : vector<1x128xf32> to vector<1x1x128xf32>
    tpu.vector_store %arg14[%swap3A, %swap3A_313, %swap3A_314], %swap3A_317 {strides = array<i32>} : memref<4x1x128xf32, #tpu.memory_space<vmem>>, vector<1x1x128xf32>,
    %dot_general3A_318 = arith.constant dense<0.000000e+00> : vector<128x1xf32>
    %dot_general3A_319 = tpu.matmul %convert_element_type3A_1, %div3A_312, %dot_general3A_318 {dimension_numbers = #tpu.dot_dimension_numbers<[1], [1], [0], [0], [0, 0, 1, 0], [], []>, transpose_lhs_hint = false} : vector<128x128xf32>, vector<1x128xf32>, vector<128x1xf32> -> vector<128x1xf32>
    %mul3A_320 = vector.broadcast %dot_general3A_319 : vector<128x1xf32> to vector<128x128xf32>
    %mul3A_321 = arith.mulf %get3A_3, %mul3A_320 : vector<128x128xf32>
    %reduce_max3A_322 = arith.constant dense<0xFF800000> : vector<128xf32>
    %reduce_max3A_323 = vector.multi_reduction <maximumf>, %mul3A_321, %reduce_max3A_322 [0] : vector<128x128xf32> to vector<128xf32>
    %broadcast_in_dim3A_324 = vector.shape_cast %reduce_max3A_323 : vector<128xf32> to vector<1x128xf32>
    %get3A_325 = arith.constant 0 : index
    %get3A_326 = arith.constant 0 : index
    %get3A_327 = vector.load %arg10[%get3A_325, %get3A_326] : memref<128x64xf32, #tpu.memory_space<vmem>>, vector<128x64xf32>
    %dot_general3A_328 = arith.constant dense<0.000000e+00> : vector<1x64xf32>
    %dot_general3A_329 = tpu.matmul %broadcast_in_dim3A_324, %get3A_327, %dot_general3A_328 {dimension_numbers = #tpu.dot_dimension_numbers<[1], [0], [0], [1], [0, 0, 1, 1], [], []>, transpose_lhs_hint = false} : vector<1x128xf32>, vector<128x64xf32>, vector<1x64xf32> -> vector<1x64xf32>
    %get3A_330 = arith.constant 0 : index
    %get3A_331 = arith.constant 0 : index
    %get3A_332 = vector.load %arg11[%get3A_330, %get3A_331] : memref<1x64xf32, #tpu.memory_space<vmem>>, vector<1x64xf32>
    %add3A_333 = arith.addf %dot_general3A_329, %get3A_332 : vector<1x64xf32>
    %max3A = arith.constant 0.000000e+00 : f32
    %max3A_334 = vector.broadcast %max3A : f32 to vector<1x64xf32>
    %max3A_335 = arith.maximumf %add3A_333, %max3A_334 : vector<1x64xf32>
    %get3A_336 = arith.constant 0 : index
    %get3A_337 = arith.constant 0 : index
    %get3A_338 = vector.load %arg12[%get3A_336, %get3A_337] : memref<64x2xf32, #tpu.memory_space<vmem>>, vector<64x2xf32>
    %dot_general3A_339 = arith.constant dense<0.000000e+00> : vector<1x2xf32>
    %dot_general3A_340 = tpu.matmul %max3A_335, %get3A_338, %dot_general3A_339 {dimension_numbers = #tpu.dot_dimension_numbers<[1], [0], [0], [1], [0, 0, 1, 1], [], []>, transpose_lhs_hint = false} : vector<1x64xf32>, vector<64x2xf32>, vector<1x2xf32> -> vector<1x2xf32>
    %get3A_341 = arith.constant 0 : index
    %get3A_342 = arith.constant 0 : index
    %get3A_343 = vector.load %arg13[%get3A_341, %get3A_342] : memref<1x2xf32, #tpu.memory_space<vmem>>, vector<1x2xf32>
    %add3A_344 = arith.addf %dot_general3A_340, %get3A_343 : vector<1x2xf32>
    %swap3A_345 = arith.constant 0 : index
    %swap3A_346 = arith.constant 0 : index
    %swap3A_347 = arith.constant 0 : index
    %swap3A_348 = vector.load %arg15[%swap3A_345, %swap3A_346, %swap3A_347] : memref<4x1x2xf32, #tpu.memory_space<vmem>>, vector<1x1x2xf32>
    %swap3A_349 = vector.shape_cast %swap3A_348 : vector<1x1x2xf32> to vector<1x2xf32>
    %swap3A_350 = vector.shape_cast %add3A_344 : vector<1x2xf32> to vector<1x1x2xf32>
    tpu.vector_store %arg15[%swap3A_345, %swap3A_346, %swap3A_347], %swap3A_350 {strides = array<i32>} : memref<4x1x2xf32, #tpu.memory_space<vmem>>, vector<1x1x2xf32>,
    %get3A_351 = arith.constant 0 : index
    %get3A_352 = arith.constant 128 : index
    %get3A_353 = vector.load %arg1[%get3A_351, %get3A_352] : memref<128x512xf32, #tpu.memory_space<vmem>>, vector<128x128xf32>
    %get3A_354 = arith.constant 0 : index
    %get3A_355 = arith.constant 0 : index
    %get3A_356 = vector.load %arg2[%get3A_354, %get3A_355] : memref<128x64xf32, #tpu.memory_space<vmem>>, vector<128x64xf32>
    %dot_general3A_357 = arith.constant dense<0.000000e+00> : vector<128x64xf32>
    %dot_general3A_358 = tpu.matmul %get3A_353, %get3A_356, %dot_general3A_357 {dimension_numbers = #tpu.dot_dimension_numbers<[1], [0], [0], [1], [0, 0, 1, 1], [], []>, transpose_lhs_hint = false} : vector<128x128xf32>, vector<128x64xf32>, vector<128x64xf32> -> vector<128x64xf32>
    %get3A_359 = arith.constant 0 : index
    %get3A_360 = arith.constant 0 : index
    %get3A_361 = vector.load %arg3[%get3A_359, %get3A_360] : memref<64x8xf32, #tpu.memory_space<vmem>>, vector<64x8xf32>
    %dot_general3A_362 = arith.constant dense<0.000000e+00> : vector<128x8xf32>
    %dot_general3A_363 = tpu.matmul %dot_general3A_358, %get3A_361, %dot_general3A_362 {dimension_numbers = #tpu.dot_dimension_numbers<[1], [0], [0], [1], [0, 0, 1, 1], [], []>, transpose_lhs_hint = false} : vector<128x64xf32>, vector<64x8xf32>, vector<128x8xf32> -> vector<128x8xf32>
    %get3A_364 = arith.constant 0 : index
    %get3A_365 = arith.constant 0 : index
    %get3A_366 = vector.load %arg4[%get3A_364, %get3A_365] : memref<8x64xf32, #tpu.memory_space<vmem>>, vector<8x64xf32>
    %dot_general3A_367 = arith.constant dense<0.000000e+00> : vector<8x128xf32>
    %dot_general3A_368 = tpu.matmul %get3A_366, %dot_general3A_358, %dot_general3A_367 {dimension_numbers = #tpu.dot_dimension_numbers<[1], [1], [0], [0], [0, 0, 1, 0], [], []>, transpose_lhs_hint = false} : vector<8x64xf32>, vector<128x64xf32>, vector<8x128xf32> -> vector<8x128xf32>
    %slice3A_369 = vector.extract_strided_slice %dot_general3A_363 {offsets = [0, 0], sizes = [128, 1], strides = [1, 1]} : vector<128x8xf32> to vector<128x1xf32>
    %slice3A_370 = vector.extract_strided_slice %dot_general3A_368 {offsets = [0, 0], sizes = [1, 128], strides = [1, 1]} : vector<8x128xf32> to vector<1x128xf32>
    %add3A_371 = vector.broadcast %slice3A_369 : vector<128x1xf32> to vector<128x128xf32>
    %add3A_372 = vector.broadcast %slice3A_370 : vector<1x128xf32> to vector<128x128xf32>
    %add3A_373 = arith.addf %add3A_371, %add3A_372 : vector<128x128xf32>
    %ge3A_374 = arith.constant 0.000000e+00 : f32
    %ge3A_375 = vector.broadcast %ge3A_374 : f32 to vector<128x128xf32>
    %ge3A_376 = arith.cmpf oge, %add3A_373, %ge3A_375 : vector<128x128xf32>
    %mul3A_377 = arith.constant 2.000000e-01 : f32
    %mul3A_378 = vector.broadcast %mul3A_377 : f32 to vector<128x128xf32>
    %mul3A_379 = arith.mulf %mul3A_378, %add3A_373 : vector<128x128xf32>
    %select_n3A_380 = arith.select %ge3A_376, %add3A_373, %mul3A_379 : vector<128x128xi1>, vector<128x128xf32>
    %reduce_max3A_381 = arith.constant dense<0xFF800000> : vector<128xf32>
    %reduce_max3A_382 = vector.multi_reduction <maximumf>, %select_n3A_380, %reduce_max3A_381 [1] : vector<128x128xf32> to vector<128xf32>
    %broadcast_in_dim3A_383 = vector.shape_cast %reduce_max3A_382 : vector<128xf32> to vector<128x1xf32>
    %sub3A_384 = vector.broadcast %broadcast_in_dim3A_383 : vector<128x1xf32> to vector<128x128xf32>
    %sub3A_385 = arith.subf %select_n3A_380, %sub3A_384 : vector<128x128xf32>
    %exp3A_386 = math.exp %sub3A_385 : vector<128x128xf32>
    %reduce_sum3A_387 = arith.constant dense<0.000000e+00> : vector<128xf32>
    %reduce_sum3A_388 = vector.multi_reduction <add>, %exp3A_386, %reduce_sum3A_387 [1] : vector<128x128xf32> to vector<128xf32>
    %broadcast_in_dim3A_389 = vector.shape_cast %reduce_sum3A_388 : vector<128xf32> to vector<128x1xf32>
    %add3A_390 = arith.constant 1.000000e-16 : f32
    %add3A_391 = vector.broadcast %add3A_390 : f32 to vector<128x1xf32>
    %add3A_392 = arith.addf %broadcast_in_dim3A_389, %add3A_391 : vector<128x1xf32>
    %div3A_393 = vector.broadcast %add3A_392 : vector<128x1xf32> to vector<128x128xf32>
    %div3A_394 = arith.divf %exp3A_386, %div3A_393 : vector<128x128xf32>
    %slice3A_395 = vector.extract_strided_slice %dot_general3A_358 {offsets = [0, 0], sizes = [128, 8], strides = [1, 1]} : vector<128x64xf32> to vector<128x8xf32>
    %dot_general3A_396 = arith.constant dense<0.000000e+00> : vector<128x8xf32>
    %dot_general3A_397 = tpu.matmul %div3A_394, %slice3A_395, %dot_general3A_396 {dimension_numbers = #tpu.dot_dimension_numbers<[1], [0], [0], [1], [0, 0, 1, 1], [], []>, transpose_lhs_hint = false} : vector<128x128xf32>, vector<128x8xf32>, vector<128x8xf32> -> vector<128x8xf32>
    %slice3A_398 = vector.extract_strided_slice %dot_general3A_363 {offsets = [0, 1], sizes = [128, 1], strides = [1, 1]} : vector<128x8xf32> to vector<128x1xf32>
    %slice3A_399 = vector.extract_strided_slice %dot_general3A_368 {offsets = [1, 0], sizes = [1, 128], strides = [1, 1]} : vector<8x128xf32> to vector<1x128xf32>
    %add3A_400 = vector.broadcast %slice3A_398 : vector<128x1xf32> to vector<128x128xf32>
    %add3A_401 = vector.broadcast %slice3A_399 : vector<1x128xf32> to vector<128x128xf32>
    %add3A_402 = arith.addf %add3A_400, %add3A_401 : vector<128x128xf32>
    %ge3A_403 = arith.constant 0.000000e+00 : f32
    %ge3A_404 = vector.broadcast %ge3A_403 : f32 to vector<128x128xf32>
    %ge3A_405 = arith.cmpf oge, %add3A_402, %ge3A_404 : vector<128x128xf32>
    %mul3A_406 = arith.constant 2.000000e-01 : f32
    %mul3A_407 = vector.broadcast %mul3A_406 : f32 to vector<128x128xf32>
    %mul3A_408 = arith.mulf %mul3A_407, %add3A_402 : vector<128x128xf32>
    %select_n3A_409 = arith.select %ge3A_405, %add3A_402, %mul3A_408 : vector<128x128xi1>, vector<128x128xf32>
    %reduce_max3A_410 = arith.constant dense<0xFF800000> : vector<128xf32>
    %reduce_max3A_411 = vector.multi_reduction <maximumf>, %select_n3A_409, %reduce_max3A_410 [1] : vector<128x128xf32> to vector<128xf32>
    %broadcast_in_dim3A_412 = vector.shape_cast %reduce_max3A_411 : vector<128xf32> to vector<128x1xf32>
    %sub3A_413 = vector.broadcast %broadcast_in_dim3A_412 : vector<128x1xf32> to vector<128x128xf32>
    %sub3A_414 = arith.subf %select_n3A_409, %sub3A_413 : vector<128x128xf32>
    %exp3A_415 = math.exp %sub3A_414 : vector<128x128xf32>
    %reduce_sum3A_416 = arith.constant dense<0.000000e+00> : vector<128xf32>
    %reduce_sum3A_417 = vector.multi_reduction <add>, %exp3A_415, %reduce_sum3A_416 [1] : vector<128x128xf32> to vector<128xf32>
    %broadcast_in_dim3A_418 = vector.shape_cast %reduce_sum3A_417 : vector<128xf32> to vector<128x1xf32>
    %add3A_419 = arith.constant 1.000000e-16 : f32
    %add3A_420 = vector.broadcast %add3A_419 : f32 to vector<128x1xf32>
    %add3A_421 = arith.addf %broadcast_in_dim3A_418, %add3A_420 : vector<128x1xf32>
    %div3A_422 = vector.broadcast %add3A_421 : vector<128x1xf32> to vector<128x128xf32>
    %div3A_423 = arith.divf %exp3A_415, %div3A_422 : vector<128x128xf32>
    %slice3A_424 = vector.extract_strided_slice %dot_general3A_358 {offsets = [0, 8], sizes = [128, 8], strides = [1, 1]} : vector<128x64xf32> to vector<128x8xf32>
    %dot_general3A_425 = arith.constant dense<0.000000e+00> : vector<128x8xf32>
    %dot_general3A_426 = tpu.matmul %div3A_423, %slice3A_424, %dot_general3A_425 {dimension_numbers = #tpu.dot_dimension_numbers<[1], [0], [0], [1], [0, 0, 1, 1], [], []>, transpose_lhs_hint = false} : vector<128x128xf32>, vector<128x8xf32>, vector<128x8xf32> -> vector<128x8xf32>
    %slice3A_427 = vector.extract_strided_slice %dot_general3A_363 {offsets = [0, 2], sizes = [128, 1], strides = [1, 1]} : vector<128x8xf32> to vector<128x1xf32>
    %slice3A_428 = vector.extract_strided_slice %dot_general3A_368 {offsets = [2, 0], sizes = [1, 128], strides = [1, 1]} : vector<8x128xf32> to vector<1x128xf32>
    %add3A_429 = vector.broadcast %slice3A_427 : vector<128x1xf32> to vector<128x128xf32>
    %add3A_430 = vector.broadcast %slice3A_428 : vector<1x128xf32> to vector<128x128xf32>
    %add3A_431 = arith.addf %add3A_429, %add3A_430 : vector<128x128xf32>
    %ge3A_432 = arith.constant 0.000000e+00 : f32
    %ge3A_433 = vector.broadcast %ge3A_432 : f32 to vector<128x128xf32>
    %ge3A_434 = arith.cmpf oge, %add3A_431, %ge3A_433 : vector<128x128xf32>
    %mul3A_435 = arith.constant 2.000000e-01 : f32
    %mul3A_436 = vector.broadcast %mul3A_435 : f32 to vector<128x128xf32>
    %mul3A_437 = arith.mulf %mul3A_436, %add3A_431 : vector<128x128xf32>
    %select_n3A_438 = arith.select %ge3A_434, %add3A_431, %mul3A_437 : vector<128x128xi1>, vector<128x128xf32>
    %reduce_max3A_439 = arith.constant dense<0xFF800000> : vector<128xf32>
    %reduce_max3A_440 = vector.multi_reduction <maximumf>, %select_n3A_438, %reduce_max3A_439 [1] : vector<128x128xf32> to vector<128xf32>
    %broadcast_in_dim3A_441 = vector.shape_cast %reduce_max3A_440 : vector<128xf32> to vector<128x1xf32>
    %sub3A_442 = vector.broadcast %broadcast_in_dim3A_441 : vector<128x1xf32> to vector<128x128xf32>
    %sub3A_443 = arith.subf %select_n3A_438, %sub3A_442 : vector<128x128xf32>
    %exp3A_444 = math.exp %sub3A_443 : vector<128x128xf32>
    %reduce_sum3A_445 = arith.constant dense<0.000000e+00> : vector<128xf32>
    %reduce_sum3A_446 = vector.multi_reduction <add>, %exp3A_444, %reduce_sum3A_445 [1] : vector<128x128xf32> to vector<128xf32>
    %broadcast_in_dim3A_447 = vector.shape_cast %reduce_sum3A_446 : vector<128xf32> to vector<128x1xf32>
    %add3A_448 = arith.constant 1.000000e-16 : f32
    %add3A_449 = vector.broadcast %add3A_448 : f32 to vector<128x1xf32>
    %add3A_450 = arith.addf %broadcast_in_dim3A_447, %add3A_449 : vector<128x1xf32>
    %div3A_451 = vector.broadcast %add3A_450 : vector<128x1xf32> to vector<128x128xf32>
    %div3A_452 = arith.divf %exp3A_444, %div3A_451 : vector<128x128xf32>
    %slice3A_453 = vector.extract_strided_slice %dot_general3A_358 {offsets = [0, 16], sizes = [128, 8], strides = [1, 1]} : vector<128x64xf32> to vector<128x8xf32>
    %dot_general3A_454 = arith.constant dense<0.000000e+00> : vector<128x8xf32>
    %dot_general3A_455 = tpu.matmul %div3A_452, %slice3A_453, %dot_general3A_454 {dimension_numbers = #tpu.dot_dimension_numbers<[1], [0], [0], [1], [0, 0, 1, 1], [], []>, transpose_lhs_hint = false} : vector<128x128xf32>, vector<128x8xf32>, vector<128x8xf32> -> vector<128x8xf32>
    %slice3A_456 = vector.extract_strided_slice %dot_general3A_363 {offsets = [0, 3], sizes = [128, 1], strides = [1, 1]} : vector<128x8xf32> to vector<128x1xf32>
    %slice3A_457 = vector.extract_strided_slice %dot_general3A_368 {offsets = [3, 0], sizes = [1, 128], strides = [1, 1]} : vector<8x128xf32> to vector<1x128xf32>
    %add3A_458 = vector.broadcast %slice3A_456 : vector<128x1xf32> to vector<128x128xf32>
    %add3A_459 = vector.broadcast %slice3A_457 : vector<1x128xf32> to vector<128x128xf32>
    %add3A_460 = arith.addf %add3A_458, %add3A_459 : vector<128x128xf32>
    %ge3A_461 = arith.constant 0.000000e+00 : f32
    %ge3A_462 = vector.broadcast %ge3A_461 : f32 to vector<128x128xf32>
    %ge3A_463 = arith.cmpf oge, %add3A_460, %ge3A_462 : vector<128x128xf32>
    %mul3A_464 = arith.constant 2.000000e-01 : f32
    %mul3A_465 = vector.broadcast %mul3A_464 : f32 to vector<128x128xf32>
    %mul3A_466 = arith.mulf %mul3A_465, %add3A_460 : vector<128x128xf32>
    %select_n3A_467 = arith.select %ge3A_463, %add3A_460, %mul3A_466 : vector<128x128xi1>, vector<128x128xf32>
    %reduce_max3A_468 = arith.constant dense<0xFF800000> : vector<128xf32>
    %reduce_max3A_469 = vector.multi_reduction <maximumf>, %select_n3A_467, %reduce_max3A_468 [1] : vector<128x128xf32> to vector<128xf32>
    %broadcast_in_dim3A_470 = vector.shape_cast %reduce_max3A_469 : vector<128xf32> to vector<128x1xf32>
    %sub3A_471 = vector.broadcast %broadcast_in_dim3A_470 : vector<128x1xf32> to vector<128x128xf32>
    %sub3A_472 = arith.subf %select_n3A_467, %sub3A_471 : vector<128x128xf32>
    %exp3A_473 = math.exp %sub3A_472 : vector<128x128xf32>
    %reduce_sum3A_474 = arith.constant dense<0.000000e+00> : vector<128xf32>
    %reduce_sum3A_475 = vector.multi_reduction <add>, %exp3A_473, %reduce_sum3A_474 [1] : vector<128x128xf32> to vector<128xf32>
    %broadcast_in_dim3A_476 = vector.shape_cast %reduce_sum3A_475 : vector<128xf32> to vector<128x1xf32>
    %add3A_477 = arith.constant 1.000000e-16 : f32
    %add3A_478 = vector.broadcast %add3A_477 : f32 to vector<128x1xf32>
    %add3A_479 = arith.addf %broadcast_in_dim3A_476, %add3A_478 : vector<128x1xf32>
    %div3A_480 = vector.broadcast %add3A_479 : vector<128x1xf32> to vector<128x128xf32>
    %div3A_481 = arith.divf %exp3A_473, %div3A_480 : vector<128x128xf32>
    %slice3A_482 = vector.extract_strided_slice %dot_general3A_358 {offsets = [0, 24], sizes = [128, 8], strides = [1, 1]} : vector<128x64xf32> to vector<128x8xf32>
    %dot_general3A_483 = arith.constant dense<0.000000e+00> : vector<128x8xf32>
    %dot_general3A_484 = tpu.matmul %div3A_481, %slice3A_482, %dot_general3A_483 {dimension_numbers = #tpu.dot_dimension_numbers<[1], [0], [0], [1], [0, 0, 1, 1], [], []>, transpose_lhs_hint = false} : vector<128x128xf32>, vector<128x8xf32>, vector<128x8xf32> -> vector<128x8xf32>
    %slice3A_485 = vector.extract_strided_slice %dot_general3A_363 {offsets = [0, 4], sizes = [128, 1], strides = [1, 1]} : vector<128x8xf32> to vector<128x1xf32>
    %slice3A_486 = vector.extract_strided_slice %dot_general3A_368 {offsets = [4, 0], sizes = [1, 128], strides = [1, 1]} : vector<8x128xf32> to vector<1x128xf32>
    %add3A_487 = vector.broadcast %slice3A_485 : vector<128x1xf32> to vector<128x128xf32>
    %add3A_488 = vector.broadcast %slice3A_486 : vector<1x128xf32> to vector<128x128xf32>
    %add3A_489 = arith.addf %add3A_487, %add3A_488 : vector<128x128xf32>
    %ge3A_490 = arith.constant 0.000000e+00 : f32
    %ge3A_491 = vector.broadcast %ge3A_490 : f32 to vector<128x128xf32>
    %ge3A_492 = arith.cmpf oge, %add3A_489, %ge3A_491 : vector<128x128xf32>
    %mul3A_493 = arith.constant 2.000000e-01 : f32
    %mul3A_494 = vector.broadcast %mul3A_493 : f32 to vector<128x128xf32>
    %mul3A_495 = arith.mulf %mul3A_494, %add3A_489 : vector<128x128xf32>
    %select_n3A_496 = arith.select %ge3A_492, %add3A_489, %mul3A_495 : vector<128x128xi1>, vector<128x128xf32>
    %reduce_max3A_497 = arith.constant dense<0xFF800000> : vector<128xf32>
    %reduce_max3A_498 = vector.multi_reduction <maximumf>, %select_n3A_496, %reduce_max3A_497 [1] : vector<128x128xf32> to vector<128xf32>
    %broadcast_in_dim3A_499 = vector.shape_cast %reduce_max3A_498 : vector<128xf32> to vector<128x1xf32>
    %sub3A_500 = vector.broadcast %broadcast_in_dim3A_499 : vector<128x1xf32> to vector<128x128xf32>
    %sub3A_501 = arith.subf %select_n3A_496, %sub3A_500 : vector<128x128xf32>
    %exp3A_502 = math.exp %sub3A_501 : vector<128x128xf32>
    %reduce_sum3A_503 = arith.constant dense<0.000000e+00> : vector<128xf32>
    %reduce_sum3A_504 = vector.multi_reduction <add>, %exp3A_502, %reduce_sum3A_503 [1] : vector<128x128xf32> to vector<128xf32>
    %broadcast_in_dim3A_505 = vector.shape_cast %reduce_sum3A_504 : vector<128xf32> to vector<128x1xf32>
    %add3A_506 = arith.constant 1.000000e-16 : f32
    %add3A_507 = vector.broadcast %add3A_506 : f32 to vector<128x1xf32>
    %add3A_508 = arith.addf %broadcast_in_dim3A_505, %add3A_507 : vector<128x1xf32>
    %div3A_509 = vector.broadcast %add3A_508 : vector<128x1xf32> to vector<128x128xf32>
    %div3A_510 = arith.divf %exp3A_502, %div3A_509 : vector<128x128xf32>
    %slice3A_511 = vector.extract_strided_slice %dot_general3A_358 {offsets = [0, 32], sizes = [128, 8], strides = [1, 1]} : vector<128x64xf32> to vector<128x8xf32>
    %dot_general3A_512 = arith.constant dense<0.000000e+00> : vector<128x8xf32>
    %dot_general3A_513 = tpu.matmul %div3A_510, %slice3A_511, %dot_general3A_512 {dimension_numbers = #tpu.dot_dimension_numbers<[1], [0], [0], [1], [0, 0, 1, 1], [], []>, transpose_lhs_hint = false} : vector<128x128xf32>, vector<128x8xf32>, vector<128x8xf32> -> vector<128x8xf32>
    %slice3A_514 = vector.extract_strided_slice %dot_general3A_363 {offsets = [0, 5], sizes = [128, 1], strides = [1, 1]} : vector<128x8xf32> to vector<128x1xf32>
    %slice3A_515 = vector.extract_strided_slice %dot_general3A_368 {offsets = [5, 0], sizes = [1, 128], strides = [1, 1]} : vector<8x128xf32> to vector<1x128xf32>
    %add3A_516 = vector.broadcast %slice3A_514 : vector<128x1xf32> to vector<128x128xf32>
    %add3A_517 = vector.broadcast %slice3A_515 : vector<1x128xf32> to vector<128x128xf32>
    %add3A_518 = arith.addf %add3A_516, %add3A_517 : vector<128x128xf32>
    %ge3A_519 = arith.constant 0.000000e+00 : f32
    %ge3A_520 = vector.broadcast %ge3A_519 : f32 to vector<128x128xf32>
    %ge3A_521 = arith.cmpf oge, %add3A_518, %ge3A_520 : vector<128x128xf32>
    %mul3A_522 = arith.constant 2.000000e-01 : f32
    %mul3A_523 = vector.broadcast %mul3A_522 : f32 to vector<128x128xf32>
    %mul3A_524 = arith.mulf %mul3A_523, %add3A_518 : vector<128x128xf32>
    %select_n3A_525 = arith.select %ge3A_521, %add3A_518, %mul3A_524 : vector<128x128xi1>, vector<128x128xf32>
    %reduce_max3A_526 = arith.constant dense<0xFF800000> : vector<128xf32>
    %reduce_max3A_527 = vector.multi_reduction <maximumf>, %select_n3A_525, %reduce_max3A_526 [1] : vector<128x128xf32> to vector<128xf32>
    %broadcast_in_dim3A_528 = vector.shape_cast %reduce_max3A_527 : vector<128xf32> to vector<128x1xf32>
    %sub3A_529 = vector.broadcast %broadcast_in_dim3A_528 : vector<128x1xf32> to vector<128x128xf32>
    %sub3A_530 = arith.subf %select_n3A_525, %sub3A_529 : vector<128x128xf32>
    %exp3A_531 = math.exp %sub3A_530 : vector<128x128xf32>
    %reduce_sum3A_532 = arith.constant dense<0.000000e+00> : vector<128xf32>
    %reduce_sum3A_533 = vector.multi_reduction <add>, %exp3A_531, %reduce_sum3A_532 [1] : vector<128x128xf32> to vector<128xf32>
    %broadcast_in_dim3A_534 = vector.shape_cast %reduce_sum3A_533 : vector<128xf32> to vector<128x1xf32>
    %add3A_535 = arith.constant 1.000000e-16 : f32
    %add3A_536 = vector.broadcast %add3A_535 : f32 to vector<128x1xf32>
    %add3A_537 = arith.addf %broadcast_in_dim3A_534, %add3A_536 : vector<128x1xf32>
    %div3A_538 = vector.broadcast %add3A_537 : vector<128x1xf32> to vector<128x128xf32>
    %div3A_539 = arith.divf %exp3A_531, %div3A_538 : vector<128x128xf32>
    %slice3A_540 = vector.extract_strided_slice %dot_general3A_358 {offsets = [0, 40], sizes = [128, 8], strides = [1, 1]} : vector<128x64xf32> to vector<128x8xf32>
    %dot_general3A_541 = arith.constant dense<0.000000e+00> : vector<128x8xf32>
    %dot_general3A_542 = tpu.matmul %div3A_539, %slice3A_540, %dot_general3A_541 {dimension_numbers = #tpu.dot_dimension_numbers<[1], [0], [0], [1], [0, 0, 1, 1], [], []>, transpose_lhs_hint = false} : vector<128x128xf32>, vector<128x8xf32>, vector<128x8xf32> -> vector<128x8xf32>
    %slice3A_543 = vector.extract_strided_slice %dot_general3A_363 {offsets = [0, 6], sizes = [128, 1], strides = [1, 1]} : vector<128x8xf32> to vector<128x1xf32>
    %slice3A_544 = vector.extract_strided_slice %dot_general3A_368 {offsets = [6, 0], sizes = [1, 128], strides = [1, 1]} : vector<8x128xf32> to vector<1x128xf32>
    %add3A_545 = vector.broadcast %slice3A_543 : vector<128x1xf32> to vector<128x128xf32>
    %add3A_546 = vector.broadcast %slice3A_544 : vector<1x128xf32> to vector<128x128xf32>
    %add3A_547 = arith.addf %add3A_545, %add3A_546 : vector<128x128xf32>
    %ge3A_548 = arith.constant 0.000000e+00 : f32
    %ge3A_549 = vector.broadcast %ge3A_548 : f32 to vector<128x128xf32>
    %ge3A_550 = arith.cmpf oge, %add3A_547, %ge3A_549 : vector<128x128xf32>
    %mul3A_551 = arith.constant 2.000000e-01 : f32
    %mul3A_552 = vector.broadcast %mul3A_551 : f32 to vector<128x128xf32>
    %mul3A_553 = arith.mulf %mul3A_552, %add3A_547 : vector<128x128xf32>
    %select_n3A_554 = arith.select %ge3A_550, %add3A_547, %mul3A_553 : vector<128x128xi1>, vector<128x128xf32>
    %reduce_max3A_555 = arith.constant dense<0xFF800000> : vector<128xf32>
    %reduce_max3A_556 = vector.multi_reduction <maximumf>, %select_n3A_554, %reduce_max3A_555 [1] : vector<128x128xf32> to vector<128xf32>
    %broadcast_in_dim3A_557 = vector.shape_cast %reduce_max3A_556 : vector<128xf32> to vector<128x1xf32>
    %sub3A_558 = vector.broadcast %broadcast_in_dim3A_557 : vector<128x1xf32> to vector<128x128xf32>
    %sub3A_559 = arith.subf %select_n3A_554, %sub3A_558 : vector<128x128xf32>
    %exp3A_560 = math.exp %sub3A_559 : vector<128x128xf32>
    %reduce_sum3A_561 = arith.constant dense<0.000000e+00> : vector<128xf32>
    %reduce_sum3A_562 = vector.multi_reduction <add>, %exp3A_560, %reduce_sum3A_561 [1] : vector<128x128xf32> to vector<128xf32>
    %broadcast_in_dim3A_563 = vector.shape_cast %reduce_sum3A_562 : vector<128xf32> to vector<128x1xf32>
    %add3A_564 = arith.constant 1.000000e-16 : f32
    %add3A_565 = vector.broadcast %add3A_564 : f32 to vector<128x1xf32>
    %add3A_566 = arith.addf %broadcast_in_dim3A_563, %add3A_565 : vector<128x1xf32>
    %div3A_567 = vector.broadcast %add3A_566 : vector<128x1xf32> to vector<128x128xf32>
    %div3A_568 = arith.divf %exp3A_560, %div3A_567 : vector<128x128xf32>
    %slice3A_569 = vector.extract_strided_slice %dot_general3A_358 {offsets = [0, 48], sizes = [128, 8], strides = [1, 1]} : vector<128x64xf32> to vector<128x8xf32>
    %dot_general3A_570 = arith.constant dense<0.000000e+00> : vector<128x8xf32>
    %dot_general3A_571 = tpu.matmul %div3A_568, %slice3A_569, %dot_general3A_570 {dimension_numbers = #tpu.dot_dimension_numbers<[1], [0], [0], [1], [0, 0, 1, 1], [], []>, transpose_lhs_hint = false} : vector<128x128xf32>, vector<128x8xf32>, vector<128x8xf32> -> vector<128x8xf32>
    %slice3A_572 = vector.extract_strided_slice %dot_general3A_363 {offsets = [0, 7], sizes = [128, 1], strides = [1, 1]} : vector<128x8xf32> to vector<128x1xf32>
    %slice3A_573 = vector.extract_strided_slice %dot_general3A_368 {offsets = [7, 0], sizes = [1, 128], strides = [1, 1]} : vector<8x128xf32> to vector<1x128xf32>
    %add3A_574 = vector.broadcast %slice3A_572 : vector<128x1xf32> to vector<128x128xf32>
    %add3A_575 = vector.broadcast %slice3A_573 : vector<1x128xf32> to vector<128x128xf32>
    %add3A_576 = arith.addf %add3A_574, %add3A_575 : vector<128x128xf32>
    %ge3A_577 = arith.constant 0.000000e+00 : f32
    %ge3A_578 = vector.broadcast %ge3A_577 : f32 to vector<128x128xf32>
    %ge3A_579 = arith.cmpf oge, %add3A_576, %ge3A_578 : vector<128x128xf32>
    %mul3A_580 = arith.constant 2.000000e-01 : f32
    %mul3A_581 = vector.broadcast %mul3A_580 : f32 to vector<128x128xf32>
    %mul3A_582 = arith.mulf %mul3A_581, %add3A_576 : vector<128x128xf32>
    %select_n3A_583 = arith.select %ge3A_579, %add3A_576, %mul3A_582 : vector<128x128xi1>, vector<128x128xf32>
    %reduce_max3A_584 = arith.constant dense<0xFF800000> : vector<128xf32>
    %reduce_max3A_585 = vector.multi_reduction <maximumf>, %select_n3A_583, %reduce_max3A_584 [1] : vector<128x128xf32> to vector<128xf32>
    %broadcast_in_dim3A_586 = vector.shape_cast %reduce_max3A_585 : vector<128xf32> to vector<128x1xf32>
    %sub3A_587 = vector.broadcast %broadcast_in_dim3A_586 : vector<128x1xf32> to vector<128x128xf32>
    %sub3A_588 = arith.subf %select_n3A_583, %sub3A_587 : vector<128x128xf32>
    %exp3A_589 = math.exp %sub3A_588 : vector<128x128xf32>
    %reduce_sum3A_590 = arith.constant dense<0.000000e+00> : vector<128xf32>
    %reduce_sum3A_591 = vector.multi_reduction <add>, %exp3A_589, %reduce_sum3A_590 [1] : vector<128x128xf32> to vector<128xf32>
    %broadcast_in_dim3A_592 = vector.shape_cast %reduce_sum3A_591 : vector<128xf32> to vector<128x1xf32>
    %add3A_593 = arith.constant 1.000000e-16 : f32
    %add3A_594 = vector.broadcast %add3A_593 : f32 to vector<128x1xf32>
    %add3A_595 = arith.addf %broadcast_in_dim3A_592, %add3A_594 : vector<128x1xf32>
    %div3A_596 = vector.broadcast %add3A_595 : vector<128x1xf32> to vector<128x128xf32>
    %div3A_597 = arith.divf %exp3A_589, %div3A_596 : vector<128x128xf32>
    %slice3A_598 = vector.extract_strided_slice %dot_general3A_358 {offsets = [0, 56], sizes = [128, 8], strides = [1, 1]} : vector<128x64xf32> to vector<128x8xf32>
    %dot_general3A_599 = arith.constant dense<0.000000e+00> : vector<128x8xf32>
    %dot_general3A_600 = tpu.matmul %div3A_597, %slice3A_598, %dot_general3A_599 {dimension_numbers = #tpu.dot_dimension_numbers<[1], [0], [0], [1], [0, 0, 1, 1], [], []>, transpose_lhs_hint = false} : vector<128x128xf32>, vector<128x8xf32>, vector<128x8xf32> -> vector<128x8xf32>
    %concatenate3A_601 = tpu.concatenate %dot_general3A_397, %dot_general3A_426, %dot_general3A_455, %dot_general3A_484, %dot_general3A_513, %dot_general3A_542, %dot_general3A_571, %dot_general3A_600 in 1 : vector<128x8xf32>, vector<128x8xf32>, vector<128x8xf32>, vector<128x8xf32>, vector<128x8xf32>, vector<128x8xf32>, vector<128x8xf32>, vector<128x8xf32> -> vector<128x64xf32>
    %get3A_602 = arith.constant 0 : index
    %get3A_603 = arith.constant 0 : index
    %get3A_604 = vector.load %arg5[%get3A_602, %get3A_603] : memref<1x64xf32, #tpu.memory_space<vmem>>, vector<1x64xf32>
    %add3A_605 = vector.broadcast %get3A_604 : vector<1x64xf32> to vector<128x64xf32>
    %add3A_606 = arith.addf %concatenate3A_601, %add3A_605 : vector<128x64xf32>
    %gt3A_607 = arith.constant 0.000000e+00 : f32
    %gt3A_608 = vector.broadcast %gt3A_607 : f32 to vector<128x64xf32>
    %gt3A_609 = arith.cmpf ogt, %add3A_606, %gt3A_608 : vector<128x64xf32>
    %min3A_610 = arith.constant 0.000000e+00 : f32
    %min3A_611 = vector.broadcast %min3A_610 : f32 to vector<128x64xf32>
    %min3A_612 = arith.minimumf %add3A_606, %min3A_611 : vector<128x64xf32>
    %exp3A_613 = math.exp %min3A_612 : vector<128x64xf32>
    %sub3A_614 = arith.constant 1.000000e+00 : f32
    %sub3A_615 = vector.broadcast %sub3A_614 : f32 to vector<128x64xf32>
    %sub3A_616 = arith.subf %exp3A_613, %sub3A_615 : vector<128x64xf32>
    %select_n3A_617 = arith.select %gt3A_609, %add3A_606, %sub3A_616 : vector<128x64xi1>, vector<128x64xf32>
    %get3A_618 = arith.constant 0 : index
    %get3A_619 = arith.constant 0 : index
    %get3A_620 = vector.load %arg6[%get3A_618, %get3A_619] : memref<64x1xf32, #tpu.memory_space<vmem>>, vector<64x1xf32>
    %dot_general3A_621 = arith.constant dense<0.000000e+00> : vector<128x1xf32>
    %dot_general3A_622 = tpu.matmul %select_n3A_617, %get3A_620, %dot_general3A_621 {dimension_numbers = #tpu.dot_dimension_numbers<[1], [0], [0], [1], [0, 0, 1, 1], [], []>, transpose_lhs_hint = false} : vector<128x64xf32>, vector<64x1xf32>, vector<128x1xf32> -> vector<128x1xf32>
    %get3A_623 = arith.constant 0 : index
    %get3A_624 = arith.constant 0 : index
    %get3A_625 = vector.load %arg7[%get3A_623, %get3A_624] : memref<1x64xf32, #tpu.memory_space<vmem>>, vector<1x64xf32>
    %dot_general3A_626 = arith.constant dense<0.000000e+00> : vector<1x128xf32>
    %dot_general3A_627 = tpu.matmul %get3A_625, %select_n3A_617, %dot_general3A_626 {dimension_numbers = #tpu.dot_dimension_numbers<[1], [1], [0], [0], [0, 0, 1, 0], [], []>, transpose_lhs_hint = false} : vector<1x64xf32>, vector<128x64xf32>, vector<1x128xf32> -> vector<1x128xf32>
    %add3A_628 = vector.broadcast %dot_general3A_622 : vector<128x1xf32> to vector<128x128xf32>
    %add3A_629 = vector.broadcast %dot_general3A_627 : vector<1x128xf32> to vector<128x128xf32>
    %add3A_630 = arith.addf %add3A_628, %add3A_629 : vector<128x128xf32>
    %ge3A_631 = arith.constant 0.000000e+00 : f32
    %ge3A_632 = vector.broadcast %ge3A_631 : f32 to vector<128x128xf32>
    %ge3A_633 = arith.cmpf oge, %add3A_630, %ge3A_632 : vector<128x128xf32>
    %mul3A_634 = arith.constant 2.000000e-01 : f32
    %mul3A_635 = vector.broadcast %mul3A_634 : f32 to vector<128x128xf32>
    %mul3A_636 = arith.mulf %mul3A_635, %add3A_630 : vector<128x128xf32>
    %select_n3A_637 = arith.select %ge3A_633, %add3A_630, %mul3A_636 : vector<128x128xi1>, vector<128x128xf32>
    %reduce_max3A_638 = arith.constant dense<0xFF800000> : vector<128xf32>
    %reduce_max3A_639 = vector.multi_reduction <maximumf>, %select_n3A_637, %reduce_max3A_638 [1] : vector<128x128xf32> to vector<128xf32>
    %broadcast_in_dim3A_640 = vector.shape_cast %reduce_max3A_639 : vector<128xf32> to vector<128x1xf32>
    %sub3A_641 = vector.broadcast %broadcast_in_dim3A_640 : vector<128x1xf32> to vector<128x128xf32>
    %sub3A_642 = arith.subf %select_n3A_637, %sub3A_641 : vector<128x128xf32>
    %exp3A_643 = math.exp %sub3A_642 : vector<128x128xf32>
    %reduce_sum3A_644 = arith.constant dense<0.000000e+00> : vector<128xf32>
    %reduce_sum3A_645 = vector.multi_reduction <add>, %exp3A_643, %reduce_sum3A_644 [1] : vector<128x128xf32> to vector<128xf32>
    %broadcast_in_dim3A_646 = vector.shape_cast %reduce_sum3A_645 : vector<128xf32> to vector<128x1xf32>
    %add3A_647 = arith.constant 1.000000e-16 : f32
    %add3A_648 = vector.broadcast %add3A_647 : f32 to vector<128x1xf32>
    %add3A_649 = arith.addf %broadcast_in_dim3A_646, %add3A_648 : vector<128x1xf32>
    %div3A_650 = vector.broadcast %add3A_649 : vector<128x1xf32> to vector<128x128xf32>
    %div3A_651 = arith.divf %exp3A_643, %div3A_650 : vector<128x128xf32>
    %get3A_652 = arith.constant 0 : index
    %get3A_653 = arith.constant 0 : index
    %get3A_654 = vector.load %arg8[%get3A_652, %get3A_653] : memref<1x128xf32, #tpu.memory_space<vmem>>, vector<1x128xf32>
    %dot_general3A_655 = arith.constant dense<0.000000e+00> : vector<1x128xf32>
    %dot_general3A_656 = tpu.matmul %get3A_654, %div3A_651, %dot_general3A_655 {dimension_numbers = #tpu.dot_dimension_numbers<[1], [0], [0], [1], [0, 0, 1, 1], [], []>, transpose_lhs_hint = false} : vector<1x128xf32>, vector<128x128xf32>, vector<1x128xf32> -> vector<1x128xf32>
    %get3A_657 = arith.constant 1 : index
    %get3A_658 = arith.constant 0 : index
    %get3A_659 = arith.constant 0 : index
    %get3A_660 = vector.load %arg9[%get3A_657, %get3A_658, %get3A_659] : memref<4x1x128xf32, #tpu.memory_space<vmem>>, vector<1x1x128xf32>
    %get3A_661 = vector.shape_cast %get3A_660 : vector<1x1x128xf32> to vector<1x128xf32>
    %gt3A_662 = arith.constant 0.000000e+00 : f32
    %gt3A_663 = vector.broadcast %gt3A_662 : f32 to vector<1x128xf32>
    %gt3A_664 = arith.cmpf ogt, %get3A_661, %gt3A_663 : vector<1x128xf32>
    %jit3A_665 = arith.constant 0xFF800000 : f32
    %broadcast_in_dim3A_666 = vector.broadcast %jit3A_665 : f32 to vector<1x128xf32>
    %select_n3A_667 = arith.select %gt3A_664, %dot_general3A_656, %broadcast_in_dim3A_666 : vector<1x128xi1>, vector<1x128xf32>
    %reduce_max3A_668 = arith.constant dense<0xFF800000> : vector<1xf32>
    %reduce_max3A_669 = vector.multi_reduction <maximumf>, %select_n3A_667, %reduce_max3A_668 [1] : vector<1x128xf32> to vector<1xf32>
    %broadcast_in_dim3A_670 = vector.shape_cast %reduce_max3A_669 : vector<1xf32> to vector<1x1xf32>
    %sub3A_671 = vector.broadcast %broadcast_in_dim3A_670 : vector<1x1xf32> to vector<1x128xf32>
    %sub3A_672 = arith.subf %select_n3A_667, %sub3A_671 : vector<1x128xf32>
    %exp3A_673 = math.exp %sub3A_672 : vector<1x128xf32>
    %reduce_sum3A_674 = arith.constant dense<0.000000e+00> : vector<1xf32>
    %reduce_sum3A_675 = vector.multi_reduction <add>, %exp3A_673, %reduce_sum3A_674 [1] : vector<1x128xf32> to vector<1xf32>
    %broadcast_in_dim3A_676 = vector.shape_cast %reduce_sum3A_675 : vector<1xf32> to vector<1x1xf32>
    %div3A_677 = vector.broadcast %broadcast_in_dim3A_676 : vector<1x1xf32> to vector<1x128xf32>
    %div3A_678 = arith.divf %exp3A_673, %div3A_677 : vector<1x128xf32>
    %swap3A_679 = arith.constant 1 : index
    %swap3A_680 = arith.constant 0 : index
    %swap3A_681 = arith.constant 0 : index
    %swap3A_682 = vector.load %arg14[%swap3A_679, %swap3A_680, %swap3A_681] : memref<4x1x128xf32, #tpu.memory_space<vmem>>, vector<1x1x128xf32>
    %swap3A_683 = vector.shape_cast %swap3A_682 : vector<1x1x128xf32> to vector<1x128xf32>
    %swap3A_684 = vector.shape_cast %div3A_678 : vector<1x128xf32> to vector<1x1x128xf32>
    tpu.vector_store %arg14[%swap3A_679, %swap3A_680, %swap3A_681], %swap3A_684 {strides = array<i32>} : memref<4x1x128xf32, #tpu.memory_space<vmem>>, vector<1x1x128xf32>,
    %dot_general3A_685 = arith.constant dense<0.000000e+00> : vector<128x1xf32>
    %dot_general3A_686 = tpu.matmul %convert_element_type3A_1, %div3A_678, %dot_general3A_685 {dimension_numbers = #tpu.dot_dimension_numbers<[1], [1], [0], [0], [0, 0, 1, 0], [], []>, transpose_lhs_hint = false} : vector<128x128xf32>, vector<1x128xf32>, vector<128x1xf32> -> vector<128x1xf32>
    %mul3A_687 = vector.broadcast %dot_general3A_686 : vector<128x1xf32> to vector<128x128xf32>
    %mul3A_688 = arith.mulf %get3A_353, %mul3A_687 : vector<128x128xf32>
    %reduce_max3A_689 = arith.constant dense<0xFF800000> : vector<128xf32>
    %reduce_max3A_690 = vector.multi_reduction <maximumf>, %mul3A_688, %reduce_max3A_689 [0] : vector<128x128xf32> to vector<128xf32>
    %broadcast_in_dim3A_691 = vector.shape_cast %reduce_max3A_690 : vector<128xf32> to vector<1x128xf32>
    %get3A_692 = arith.constant 0 : index
    %get3A_693 = arith.constant 0 : index
    %get3A_694 = vector.load %arg10[%get3A_692, %get3A_693] : memref<128x64xf32, #tpu.memory_space<vmem>>, vector<128x64xf32>
    %dot_general3A_695 = arith.constant dense<0.000000e+00> : vector<1x64xf32>
    %dot_general3A_696 = tpu.matmul %broadcast_in_dim3A_691, %get3A_694, %dot_general3A_695 {dimension_numbers = #tpu.dot_dimension_numbers<[1], [0], [0], [1], [0, 0, 1, 1], [], []>, transpose_lhs_hint = false} : vector<1x128xf32>, vector<128x64xf32>, vector<1x64xf32> -> vector<1x64xf32>
    %get3A_697 = arith.constant 0 : index
    %get3A_698 = arith.constant 0 : index
    %get3A_699 = vector.load %arg11[%get3A_697, %get3A_698] : memref<1x64xf32, #tpu.memory_space<vmem>>, vector<1x64xf32>
    %add3A_700 = arith.addf %dot_general3A_696, %get3A_699 : vector<1x64xf32>
    %max3A_701 = arith.constant 0.000000e+00 : f32
    %max3A_702 = vector.broadcast %max3A_701 : f32 to vector<1x64xf32>
    %max3A_703 = arith.maximumf %add3A_700, %max3A_702 : vector<1x64xf32>
    %get3A_704 = arith.constant 0 : index
    %get3A_705 = arith.constant 0 : index
    %get3A_706 = vector.load %arg12[%get3A_704, %get3A_705] : memref<64x2xf32, #tpu.memory_space<vmem>>, vector<64x2xf32>
    %dot_general3A_707 = arith.constant dense<0.000000e+00> : vector<1x2xf32>
    %dot_general3A_708 = tpu.matmul %max3A_703, %get3A_706, %dot_general3A_707 {dimension_numbers = #tpu.dot_dimension_numbers<[1], [0], [0], [1], [0, 0, 1, 1], [], []>, transpose_lhs_hint = false} : vector<1x64xf32>, vector<64x2xf32>, vector<1x2xf32> -> vector<1x2xf32>
    %get3A_709 = arith.constant 0 : index
    %get3A_710 = arith.constant 0 : index
    %get3A_711 = vector.load %arg13[%get3A_709, %get3A_710] : memref<1x2xf32, #tpu.memory_space<vmem>>, vector<1x2xf32>
    %add3A_712 = arith.addf %dot_general3A_708, %get3A_711 : vector<1x2xf32>
    %swap3A_713 = arith.constant 1 : index
    %swap3A_714 = arith.constant 0 : index
    %swap3A_715 = arith.constant 0 : index
    %swap3A_716 = vector.load %arg15[%swap3A_713, %swap3A_714, %swap3A_715] : memref<4x1x2xf32, #tpu.memory_space<vmem>>, vector<1x1x2xf32>
    %swap3A_717 = vector.shape_cast %swap3A_716 : vector<1x1x2xf32> to vector<1x2xf32>
    %swap3A_718 = vector.shape_cast %add3A_712 : vector<1x2xf32> to vector<1x1x2xf32>
    tpu.vector_store %arg15[%swap3A_713, %swap3A_714, %swap3A_715], %swap3A_718 {strides = array<i32>} : memref<4x1x2xf32, #tpu.memory_space<vmem>>, vector<1x1x2xf32>,
    %get3A_719 = arith.constant 0 : index
    %get3A_720 = arith.constant 256 : index
    %get3A_721 = vector.load %arg1[%get3A_719, %get3A_720] : memref<128x512xf32, #tpu.memory_space<vmem>>, vector<128x128xf32>
    %get3A_722 = arith.constant 0 : index
    %get3A_723 = arith.constant 0 : index
    %get3A_724 = vector.load %arg2[%get3A_722, %get3A_723] : memref<128x64xf32, #tpu.memory_space<vmem>>, vector<128x64xf32>
    %dot_general3A_725 = arith.constant dense<0.000000e+00> : vector<128x64xf32>
    %dot_general3A_726 = tpu.matmul %get3A_721, %get3A_724, %dot_general3A_725 {dimension_numbers = #tpu.dot_dimension_numbers<[1], [0], [0], [1], [0, 0, 1, 1], [], []>, transpose_lhs_hint = false} : vector<128x128xf32>, vector<128x64xf32>, vector<128x64xf32> -> vector<128x64xf32>
    %get3A_727 = arith.constant 0 : index
    %get3A_728 = arith.constant 0 : index
    %get3A_729 = vector.load %arg3[%get3A_727, %get3A_728] : memref<64x8xf32, #tpu.memory_space<vmem>>, vector<64x8xf32>
    %dot_general3A_730 = arith.constant dense<0.000000e+00> : vector<128x8xf32>
    %dot_general3A_731 = tpu.matmul %dot_general3A_726, %get3A_729, %dot_general3A_730 {dimension_numbers = #tpu.dot_dimension_numbers<[1], [0], [0], [1], [0, 0, 1, 1], [], []>, transpose_lhs_hint = false} : vector<128x64xf32>, vector<64x8xf32>, vector<128x8xf32> -> vector<128x8xf32>
    %get3A_732 = arith.constant 0 : index
    %get3A_733 = arith.constant 0 : index
    %get3A_734 = vector.load %arg4[%get3A_732, %get3A_733] : memref<8x64xf32, #tpu.memory_space<vmem>>, vector<8x64xf32>
    %dot_general3A_735 = arith.constant dense<0.000000e+00> : vector<8x128xf32>
    %dot_general3A_736 = tpu.matmul %get3A_734, %dot_general3A_726, %dot_general3A_735 {dimension_numbers = #tpu.dot_dimension_numbers<[1], [1], [0], [0], [0, 0, 1, 0], [], []>, transpose_lhs_hint = false} : vector<8x64xf32>, vector<128x64xf32>, vector<8x128xf32> -> vector<8x128xf32>
    %slice3A_737 = vector.extract_strided_slice %dot_general3A_731 {offsets = [0, 0], sizes = [128, 1], strides = [1, 1]} : vector<128x8xf32> to vector<128x1xf32>
    %slice3A_738 = vector.extract_strided_slice %dot_general3A_736 {offsets = [0, 0], sizes = [1, 128], strides = [1, 1]} : vector<8x128xf32> to vector<1x128xf32>
    %add3A_739 = vector.broadcast %slice3A_737 : vector<128x1xf32> to vector<128x128xf32>
    %add3A_740 = vector.broadcast %slice3A_738 : vector<1x128xf32> to vector<128x128xf32>
    %add3A_741 = arith.addf %add3A_739, %add3A_740 : vector<128x128xf32>
    %ge3A_742 = arith.constant 0.000000e+00 : f32
    %ge3A_743 = vector.broadcast %ge3A_742 : f32 to vector<128x128xf32>
    %ge3A_744 = arith.cmpf oge, %add3A_741, %ge3A_743 : vector<128x128xf32>
    %mul3A_745 = arith.constant 2.000000e-01 : f32
    %mul3A_746 = vector.broadcast %mul3A_745 : f32 to vector<128x128xf32>
    %mul3A_747 = arith.mulf %mul3A_746, %add3A_741 : vector<128x128xf32>
    %select_n3A_748 = arith.select %ge3A_744, %add3A_741, %mul3A_747 : vector<128x128xi1>, vector<128x128xf32>
    %reduce_max3A_749 = arith.constant dense<0xFF800000> : vector<128xf32>
    %reduce_max3A_750 = vector.multi_reduction <maximumf>, %select_n3A_748, %reduce_max3A_749 [1] : vector<128x128xf32> to vector<128xf32>
    %broadcast_in_dim3A_751 = vector.shape_cast %reduce_max3A_750 : vector<128xf32> to vector<128x1xf32>
    %sub3A_752 = vector.broadcast %broadcast_in_dim3A_751 : vector<128x1xf32> to vector<128x128xf32>
    %sub3A_753 = arith.subf %select_n3A_748, %sub3A_752 : vector<128x128xf32>
    %exp3A_754 = math.exp %sub3A_753 : vector<128x128xf32>
    %reduce_sum3A_755 = arith.constant dense<0.000000e+00> : vector<128xf32>
    %reduce_sum3A_756 = vector.multi_reduction <add>, %exp3A_754, %reduce_sum3A_755 [1] : vector<128x128xf32> to vector<128xf32>
    %broadcast_in_dim3A_757 = vector.shape_cast %reduce_sum3A_756 : vector<128xf32> to vector<128x1xf32>
    %add3A_758 = arith.constant 1.000000e-16 : f32
    %add3A_759 = vector.broadcast %add3A_758 : f32 to vector<128x1xf32>
    %add3A_760 = arith.addf %broadcast_in_dim3A_757, %add3A_759 : vector<128x1xf32>
    %div3A_761 = vector.broadcast %add3A_760 : vector<128x1xf32> to vector<128x128xf32>
    %div3A_762 = arith.divf %exp3A_754, %div3A_761 : vector<128x128xf32>
    %slice3A_763 = vector.extract_strided_slice %dot_general3A_726 {offsets = [0, 0], sizes = [128, 8], strides = [1, 1]} : vector<128x64xf32> to vector<128x8xf32>
    %dot_general3A_764 = arith.constant dense<0.000000e+00> : vector<128x8xf32>
    %dot_general3A_765 = tpu.matmul %div3A_762, %slice3A_763, %dot_general3A_764 {dimension_numbers = #tpu.dot_dimension_numbers<[1], [0], [0], [1], [0, 0, 1, 1], [], []>, transpose_lhs_hint = false} : vector<128x128xf32>, vector<128x8xf32>, vector<128x8xf32> -> vector<128x8xf32>
    %slice3A_766 = vector.extract_strided_slice %dot_general3A_731 {offsets = [0, 1], sizes = [128, 1], strides = [1, 1]} : vector<128x8xf32> to vector<128x1xf32>
    %slice3A_767 = vector.extract_strided_slice %dot_general3A_736 {offsets = [1, 0], sizes = [1, 128], strides = [1, 1]} : vector<8x128xf32> to vector<1x128xf32>
    %add3A_768 = vector.broadcast %slice3A_766 : vector<128x1xf32> to vector<128x128xf32>
    %add3A_769 = vector.broadcast %slice3A_767 : vector<1x128xf32> to vector<128x128xf32>
    %add3A_770 = arith.addf %add3A_768, %add3A_769 : vector<128x128xf32>
    %ge3A_771 = arith.constant 0.000000e+00 : f32
    %ge3A_772 = vector.broadcast %ge3A_771 : f32 to vector<128x128xf32>
    %ge3A_773 = arith.cmpf oge, %add3A_770, %ge3A_772 : vector<128x128xf32>
    %mul3A_774 = arith.constant 2.000000e-01 : f32
    %mul3A_775 = vector.broadcast %mul3A_774 : f32 to vector<128x128xf32>
    %mul3A_776 = arith.mulf %mul3A_775, %add3A_770 : vector<128x128xf32>
    %select_n3A_777 = arith.select %ge3A_773, %add3A_770, %mul3A_776 : vector<128x128xi1>, vector<128x128xf32>
    %reduce_max3A_778 = arith.constant dense<0xFF800000> : vector<128xf32>
    %reduce_max3A_779 = vector.multi_reduction <maximumf>, %select_n3A_777, %reduce_max3A_778 [1] : vector<128x128xf32> to vector<128xf32>
    %broadcast_in_dim3A_780 = vector.shape_cast %reduce_max3A_779 : vector<128xf32> to vector<128x1xf32>
    %sub3A_781 = vector.broadcast %broadcast_in_dim3A_780 : vector<128x1xf32> to vector<128x128xf32>
    %sub3A_782 = arith.subf %select_n3A_777, %sub3A_781 : vector<128x128xf32>
    %exp3A_783 = math.exp %sub3A_782 : vector<128x128xf32>
    %reduce_sum3A_784 = arith.constant dense<0.000000e+00> : vector<128xf32>
    %reduce_sum3A_785 = vector.multi_reduction <add>, %exp3A_783, %reduce_sum3A_784 [1] : vector<128x128xf32> to vector<128xf32>
    %broadcast_in_dim3A_786 = vector.shape_cast %reduce_sum3A_785 : vector<128xf32> to vector<128x1xf32>
    %add3A_787 = arith.constant 1.000000e-16 : f32
    %add3A_788 = vector.broadcast %add3A_787 : f32 to vector<128x1xf32>
    %add3A_789 = arith.addf %broadcast_in_dim3A_786, %add3A_788 : vector<128x1xf32>
    %div3A_790 = vector.broadcast %add3A_789 : vector<128x1xf32> to vector<128x128xf32>
    %div3A_791 = arith.divf %exp3A_783, %div3A_790 : vector<128x128xf32>
    %slice3A_792 = vector.extract_strided_slice %dot_general3A_726 {offsets = [0, 8], sizes = [128, 8], strides = [1, 1]} : vector<128x64xf32> to vector<128x8xf32>
    %dot_general3A_793 = arith.constant dense<0.000000e+00> : vector<128x8xf32>
    %dot_general3A_794 = tpu.matmul %div3A_791, %slice3A_792, %dot_general3A_793 {dimension_numbers = #tpu.dot_dimension_numbers<[1], [0], [0], [1], [0, 0, 1, 1], [], []>, transpose_lhs_hint = false} : vector<128x128xf32>, vector<128x8xf32>, vector<128x8xf32> -> vector<128x8xf32>
    %slice3A_795 = vector.extract_strided_slice %dot_general3A_731 {offsets = [0, 2], sizes = [128, 1], strides = [1, 1]} : vector<128x8xf32> to vector<128x1xf32>
    %slice3A_796 = vector.extract_strided_slice %dot_general3A_736 {offsets = [2, 0], sizes = [1, 128], strides = [1, 1]} : vector<8x128xf32> to vector<1x128xf32>
    %add3A_797 = vector.broadcast %slice3A_795 : vector<128x1xf32> to vector<128x128xf32>
    %add3A_798 = vector.broadcast %slice3A_796 : vector<1x128xf32> to vector<128x128xf32>
    %add3A_799 = arith.addf %add3A_797, %add3A_798 : vector<128x128xf32>
    %ge3A_800 = arith.constant 0.000000e+00 : f32
    %ge3A_801 = vector.broadcast %ge3A_800 : f32 to vector<128x128xf32>
    %ge3A_802 = arith.cmpf oge, %add3A_799, %ge3A_801 : vector<128x128xf32>
    %mul3A_803 = arith.constant 2.000000e-01 : f32
    %mul3A_804 = vector.broadcast %mul3A_803 : f32 to vector<128x128xf32>
    %mul3A_805 = arith.mulf %mul3A_804, %add3A_799 : vector<128x128xf32>
    %select_n3A_806 = arith.select %ge3A_802, %add3A_799, %mul3A_805 : vector<128x128xi1>, vector<128x128xf32>
    %reduce_max3A_807 = arith.constant dense<0xFF800000> : vector<128xf32>
    %reduce_max3A_808 = vector.multi_reduction <maximumf>, %select_n3A_806, %reduce_max3A_807 [1] : vector<128x128xf32> to vector<128xf32>
    %broadcast_in_dim3A_809 = vector.shape_cast %reduce_max3A_808 : vector<128xf32> to vector<128x1xf32>
    %sub3A_810 = vector.broadcast %broadcast_in_dim3A_809 : vector<128x1xf32> to vector<128x128xf32>
    %sub3A_811 = arith.subf %select_n3A_806, %sub3A_810 : vector<128x128xf32>
    %exp3A_812 = math.exp %sub3A_811 : vector<128x128xf32>
    %reduce_sum3A_813 = arith.constant dense<0.000000e+00> : vector<128xf32>
    %reduce_sum3A_814 = vector.multi_reduction <add>, %exp3A_812, %reduce_sum3A_813 [1] : vector<128x128xf32> to vector<128xf32>
    %broadcast_in_dim3A_815 = vector.shape_cast %reduce_sum3A_814 : vector<128xf32> to vector<128x1xf32>
    %add3A_816 = arith.constant 1.000000e-16 : f32
    %add3A_817 = vector.broadcast %add3A_816 : f32 to vector<128x1xf32>
    %add3A_818 = arith.addf %broadcast_in_dim3A_815, %add3A_817 : vector<128x1xf32>
    %div3A_819 = vector.broadcast %add3A_818 : vector<128x1xf32> to vector<128x128xf32>
    %div3A_820 = arith.divf %exp3A_812, %div3A_819 : vector<128x128xf32>
    %slice3A_821 = vector.extract_strided_slice %dot_general3A_726 {offsets = [0, 16], sizes = [128, 8], strides = [1, 1]} : vector<128x64xf32> to vector<128x8xf32>
    %dot_general3A_822 = arith.constant dense<0.000000e+00> : vector<128x8xf32>
    %dot_general3A_823 = tpu.matmul %div3A_820, %slice3A_821, %dot_general3A_822 {dimension_numbers = #tpu.dot_dimension_numbers<[1], [0], [0], [1], [0, 0, 1, 1], [], []>, transpose_lhs_hint = false} : vector<128x128xf32>, vector<128x8xf32>, vector<128x8xf32> -> vector<128x8xf32>
    %slice3A_824 = vector.extract_strided_slice %dot_general3A_731 {offsets = [0, 3], sizes = [128, 1], strides = [1, 1]} : vector<128x8xf32> to vector<128x1xf32>
    %slice3A_825 = vector.extract_strided_slice %dot_general3A_736 {offsets = [3, 0], sizes = [1, 128], strides = [1, 1]} : vector<8x128xf32> to vector<1x128xf32>
    %add3A_826 = vector.broadcast %slice3A_824 : vector<128x1xf32> to vector<128x128xf32>
    %add3A_827 = vector.broadcast %slice3A_825 : vector<1x128xf32> to vector<128x128xf32>
    %add3A_828 = arith.addf %add3A_826, %add3A_827 : vector<128x128xf32>
    %ge3A_829 = arith.constant 0.000000e+00 : f32
    %ge3A_830 = vector.broadcast %ge3A_829 : f32 to vector<128x128xf32>
    %ge3A_831 = arith.cmpf oge, %add3A_828, %ge3A_830 : vector<128x128xf32>
    %mul3A_832 = arith.constant 2.000000e-01 : f32
    %mul3A_833 = vector.broadcast %mul3A_832 : f32 to vector<128x128xf32>
    %mul3A_834 = arith.mulf %mul3A_833, %add3A_828 : vector<128x128xf32>
    %select_n3A_835 = arith.select %ge3A_831, %add3A_828, %mul3A_834 : vector<128x128xi1>, vector<128x128xf32>
    %reduce_max3A_836 = arith.constant dense<0xFF800000> : vector<128xf32>
    %reduce_max3A_837 = vector.multi_reduction <maximumf>, %select_n3A_835, %reduce_max3A_836 [1] : vector<128x128xf32> to vector<128xf32>
    %broadcast_in_dim3A_838 = vector.shape_cast %reduce_max3A_837 : vector<128xf32> to vector<128x1xf32>
    %sub3A_839 = vector.broadcast %broadcast_in_dim3A_838 : vector<128x1xf32> to vector<128x128xf32>
    %sub3A_840 = arith.subf %select_n3A_835, %sub3A_839 : vector<128x128xf32>
    %exp3A_841 = math.exp %sub3A_840 : vector<128x128xf32>
    %reduce_sum3A_842 = arith.constant dense<0.000000e+00> : vector<128xf32>
    %reduce_sum3A_843 = vector.multi_reduction <add>, %exp3A_841, %reduce_sum3A_842 [1] : vector<128x128xf32> to vector<128xf32>
    %broadcast_in_dim3A_844 = vector.shape_cast %reduce_sum3A_843 : vector<128xf32> to vector<128x1xf32>
    %add3A_845 = arith.constant 1.000000e-16 : f32
    %add3A_846 = vector.broadcast %add3A_845 : f32 to vector<128x1xf32>
    %add3A_847 = arith.addf %broadcast_in_dim3A_844, %add3A_846 : vector<128x1xf32>
    %div3A_848 = vector.broadcast %add3A_847 : vector<128x1xf32> to vector<128x128xf32>
    %div3A_849 = arith.divf %exp3A_841, %div3A_848 : vector<128x128xf32>
    %slice3A_850 = vector.extract_strided_slice %dot_general3A_726 {offsets = [0, 24], sizes = [128, 8], strides = [1, 1]} : vector<128x64xf32> to vector<128x8xf32>
    %dot_general3A_851 = arith.constant dense<0.000000e+00> : vector<128x8xf32>
    %dot_general3A_852 = tpu.matmul %div3A_849, %slice3A_850, %dot_general3A_851 {dimension_numbers = #tpu.dot_dimension_numbers<[1], [0], [0], [1], [0, 0, 1, 1], [], []>, transpose_lhs_hint = false} : vector<128x128xf32>, vector<128x8xf32>, vector<128x8xf32> -> vector<128x8xf32>
    %slice3A_853 = vector.extract_strided_slice %dot_general3A_731 {offsets = [0, 4], sizes = [128, 1], strides = [1, 1]} : vector<128x8xf32> to vector<128x1xf32>
    %slice3A_854 = vector.extract_strided_slice %dot_general3A_736 {offsets = [4, 0], sizes = [1, 128], strides = [1, 1]} : vector<8x128xf32> to vector<1x128xf32>
    %add3A_855 = vector.broadcast %slice3A_853 : vector<128x1xf32> to vector<128x128xf32>
    %add3A_856 = vector.broadcast %slice3A_854 : vector<1x128xf32> to vector<128x128xf32>
    %add3A_857 = arith.addf %add3A_855, %add3A_856 : vector<128x128xf32>
    %ge3A_858 = arith.constant 0.000000e+00 : f32
    %ge3A_859 = vector.broadcast %ge3A_858 : f32 to vector<128x128xf32>
    %ge3A_860 = arith.cmpf oge, %add3A_857, %ge3A_859 : vector<128x128xf32>
    %mul3A_861 = arith.constant 2.000000e-01 : f32
    %mul3A_862 = vector.broadcast %mul3A_861 : f32 to vector<128x128xf32>
    %mul3A_863 = arith.mulf %mul3A_862, %add3A_857 : vector<128x128xf32>
    %select_n3A_864 = arith.select %ge3A_860, %add3A_857, %mul3A_863 : vector<128x128xi1>, vector<128x128xf32>
    %reduce_max3A_865 = arith.constant dense<0xFF800000> : vector<128xf32>
    %reduce_max3A_866 = vector.multi_reduction <maximumf>, %select_n3A_864, %reduce_max3A_865 [1] : vector<128x128xf32> to vector<128xf32>
    %broadcast_in_dim3A_867 = vector.shape_cast %reduce_max3A_866 : vector<128xf32> to vector<128x1xf32>
    %sub3A_868 = vector.broadcast %broadcast_in_dim3A_867 : vector<128x1xf32> to vector<128x128xf32>
    %sub3A_869 = arith.subf %select_n3A_864, %sub3A_868 : vector<128x128xf32>
    %exp3A_870 = math.exp %sub3A_869 : vector<128x128xf32>
    %reduce_sum3A_871 = arith.constant dense<0.000000e+00> : vector<128xf32>
    %reduce_sum3A_872 = vector.multi_reduction <add>, %exp3A_870, %reduce_sum3A_871 [1] : vector<128x128xf32> to vector<128xf32>
    %broadcast_in_dim3A_873 = vector.shape_cast %reduce_sum3A_872 : vector<128xf32> to vector<128x1xf32>
    %add3A_874 = arith.constant 1.000000e-16 : f32
    %add3A_875 = vector.broadcast %add3A_874 : f32 to vector<128x1xf32>
    %add3A_876 = arith.addf %broadcast_in_dim3A_873, %add3A_875 : vector<128x1xf32>
    %div3A_877 = vector.broadcast %add3A_876 : vector<128x1xf32> to vector<128x128xf32>
    %div3A_878 = arith.divf %exp3A_870, %div3A_877 : vector<128x128xf32>
    %slice3A_879 = vector.extract_strided_slice %dot_general3A_726 {offsets = [0, 32], sizes = [128, 8], strides = [1, 1]} : vector<128x64xf32> to vector<128x8xf32>
    %dot_general3A_880 = arith.constant dense<0.000000e+00> : vector<128x8xf32>
    %dot_general3A_881 = tpu.matmul %div3A_878, %slice3A_879, %dot_general3A_880 {dimension_numbers = #tpu.dot_dimension_numbers<[1], [0], [0], [1], [0, 0, 1, 1], [], []>, transpose_lhs_hint = false} : vector<128x128xf32>, vector<128x8xf32>, vector<128x8xf32> -> vector<128x8xf32>
    %slice3A_882 = vector.extract_strided_slice %dot_general3A_731 {offsets = [0, 5], sizes = [128, 1], strides = [1, 1]} : vector<128x8xf32> to vector<128x1xf32>
    %slice3A_883 = vector.extract_strided_slice %dot_general3A_736 {offsets = [5, 0], sizes = [1, 128], strides = [1, 1]} : vector<8x128xf32> to vector<1x128xf32>
    %add3A_884 = vector.broadcast %slice3A_882 : vector<128x1xf32> to vector<128x128xf32>
    %add3A_885 = vector.broadcast %slice3A_883 : vector<1x128xf32> to vector<128x128xf32>
    %add3A_886 = arith.addf %add3A_884, %add3A_885 : vector<128x128xf32>
    %ge3A_887 = arith.constant 0.000000e+00 : f32
    %ge3A_888 = vector.broadcast %ge3A_887 : f32 to vector<128x128xf32>
    %ge3A_889 = arith.cmpf oge, %add3A_886, %ge3A_888 : vector<128x128xf32>
    %mul3A_890 = arith.constant 2.000000e-01 : f32
    %mul3A_891 = vector.broadcast %mul3A_890 : f32 to vector<128x128xf32>
    %mul3A_892 = arith.mulf %mul3A_891, %add3A_886 : vector<128x128xf32>
    %select_n3A_893 = arith.select %ge3A_889, %add3A_886, %mul3A_892 : vector<128x128xi1>, vector<128x128xf32>
    %reduce_max3A_894 = arith.constant dense<0xFF800000> : vector<128xf32>
    %reduce_max3A_895 = vector.multi_reduction <maximumf>, %select_n3A_893, %reduce_max3A_894 [1] : vector<128x128xf32> to vector<128xf32>
    %broadcast_in_dim3A_896 = vector.shape_cast %reduce_max3A_895 : vector<128xf32> to vector<128x1xf32>
    %sub3A_897 = vector.broadcast %broadcast_in_dim3A_896 : vector<128x1xf32> to vector<128x128xf32>
    %sub3A_898 = arith.subf %select_n3A_893, %sub3A_897 : vector<128x128xf32>
    %exp3A_899 = math.exp %sub3A_898 : vector<128x128xf32>
    %reduce_sum3A_900 = arith.constant dense<0.000000e+00> : vector<128xf32>
    %reduce_sum3A_901 = vector.multi_reduction <add>, %exp3A_899, %reduce_sum3A_900 [1] : vector<128x128xf32> to vector<128xf32>
    %broadcast_in_dim3A_902 = vector.shape_cast %reduce_sum3A_901 : vector<128xf32> to vector<128x1xf32>
    %add3A_903 = arith.constant 1.000000e-16 : f32
    %add3A_904 = vector.broadcast %add3A_903 : f32 to vector<128x1xf32>
    %add3A_905 = arith.addf %broadcast_in_dim3A_902, %add3A_904 : vector<128x1xf32>
    %div3A_906 = vector.broadcast %add3A_905 : vector<128x1xf32> to vector<128x128xf32>
    %div3A_907 = arith.divf %exp3A_899, %div3A_906 : vector<128x128xf32>
    %slice3A_908 = vector.extract_strided_slice %dot_general3A_726 {offsets = [0, 40], sizes = [128, 8], strides = [1, 1]} : vector<128x64xf32> to vector<128x8xf32>
    %dot_general3A_909 = arith.constant dense<0.000000e+00> : vector<128x8xf32>
    %dot_general3A_910 = tpu.matmul %div3A_907, %slice3A_908, %dot_general3A_909 {dimension_numbers = #tpu.dot_dimension_numbers<[1], [0], [0], [1], [0, 0, 1, 1], [], []>, transpose_lhs_hint = false} : vector<128x128xf32>, vector<128x8xf32>, vector<128x8xf32> -> vector<128x8xf32>
    %slice3A_911 = vector.extract_strided_slice %dot_general3A_731 {offsets = [0, 6], sizes = [128, 1], strides = [1, 1]} : vector<128x8xf32> to vector<128x1xf32>
    %slice3A_912 = vector.extract_strided_slice %dot_general3A_736 {offsets = [6, 0], sizes = [1, 128], strides = [1, 1]} : vector<8x128xf32> to vector<1x128xf32>
    %add3A_913 = vector.broadcast %slice3A_911 : vector<128x1xf32> to vector<128x128xf32>
    %add3A_914 = vector.broadcast %slice3A_912 : vector<1x128xf32> to vector<128x128xf32>
    %add3A_915 = arith.addf %add3A_913, %add3A_914 : vector<128x128xf32>
    %ge3A_916 = arith.constant 0.000000e+00 : f32
    %ge3A_917 = vector.broadcast %ge3A_916 : f32 to vector<128x128xf32>
    %ge3A_918 = arith.cmpf oge, %add3A_915, %ge3A_917 : vector<128x128xf32>
    %mul3A_919 = arith.constant 2.000000e-01 : f32
    %mul3A_920 = vector.broadcast %mul3A_919 : f32 to vector<128x128xf32>
    %mul3A_921 = arith.mulf %mul3A_920, %add3A_915 : vector<128x128xf32>
    %select_n3A_922 = arith.select %ge3A_918, %add3A_915, %mul3A_921 : vector<128x128xi1>, vector<128x128xf32>
    %reduce_max3A_923 = arith.constant dense<0xFF800000> : vector<128xf32>
    %reduce_max3A_924 = vector.multi_reduction <maximumf>, %select_n3A_922, %reduce_max3A_923 [1] : vector<128x128xf32> to vector<128xf32>
    %broadcast_in_dim3A_925 = vector.shape_cast %reduce_max3A_924 : vector<128xf32> to vector<128x1xf32>
    %sub3A_926 = vector.broadcast %broadcast_in_dim3A_925 : vector<128x1xf32> to vector<128x128xf32>
    %sub3A_927 = arith.subf %select_n3A_922, %sub3A_926 : vector<128x128xf32>
    %exp3A_928 = math.exp %sub3A_927 : vector<128x128xf32>
    %reduce_sum3A_929 = arith.constant dense<0.000000e+00> : vector<128xf32>
    %reduce_sum3A_930 = vector.multi_reduction <add>, %exp3A_928, %reduce_sum3A_929 [1] : vector<128x128xf32> to vector<128xf32>
    %broadcast_in_dim3A_931 = vector.shape_cast %reduce_sum3A_930 : vector<128xf32> to vector<128x1xf32>
    %add3A_932 = arith.constant 1.000000e-16 : f32
    %add3A_933 = vector.broadcast %add3A_932 : f32 to vector<128x1xf32>
    %add3A_934 = arith.addf %broadcast_in_dim3A_931, %add3A_933 : vector<128x1xf32>
    %div3A_935 = vector.broadcast %add3A_934 : vector<128x1xf32> to vector<128x128xf32>
    %div3A_936 = arith.divf %exp3A_928, %div3A_935 : vector<128x128xf32>
    %slice3A_937 = vector.extract_strided_slice %dot_general3A_726 {offsets = [0, 48], sizes = [128, 8], strides = [1, 1]} : vector<128x64xf32> to vector<128x8xf32>
    %dot_general3A_938 = arith.constant dense<0.000000e+00> : vector<128x8xf32>
    %dot_general3A_939 = tpu.matmul %div3A_936, %slice3A_937, %dot_general3A_938 {dimension_numbers = #tpu.dot_dimension_numbers<[1], [0], [0], [1], [0, 0, 1, 1], [], []>, transpose_lhs_hint = false} : vector<128x128xf32>, vector<128x8xf32>, vector<128x8xf32> -> vector<128x8xf32>
    %slice3A_940 = vector.extract_strided_slice %dot_general3A_731 {offsets = [0, 7], sizes = [128, 1], strides = [1, 1]} : vector<128x8xf32> to vector<128x1xf32>
    %slice3A_941 = vector.extract_strided_slice %dot_general3A_736 {offsets = [7, 0], sizes = [1, 128], strides = [1, 1]} : vector<8x128xf32> to vector<1x128xf32>
    %add3A_942 = vector.broadcast %slice3A_940 : vector<128x1xf32> to vector<128x128xf32>
    %add3A_943 = vector.broadcast %slice3A_941 : vector<1x128xf32> to vector<128x128xf32>
    %add3A_944 = arith.addf %add3A_942, %add3A_943 : vector<128x128xf32>
    %ge3A_945 = arith.constant 0.000000e+00 : f32
    %ge3A_946 = vector.broadcast %ge3A_945 : f32 to vector<128x128xf32>
    %ge3A_947 = arith.cmpf oge, %add3A_944, %ge3A_946 : vector<128x128xf32>
    %mul3A_948 = arith.constant 2.000000e-01 : f32
    %mul3A_949 = vector.broadcast %mul3A_948 : f32 to vector<128x128xf32>
    %mul3A_950 = arith.mulf %mul3A_949, %add3A_944 : vector<128x128xf32>
    %select_n3A_951 = arith.select %ge3A_947, %add3A_944, %mul3A_950 : vector<128x128xi1>, vector<128x128xf32>
    %reduce_max3A_952 = arith.constant dense<0xFF800000> : vector<128xf32>
    %reduce_max3A_953 = vector.multi_reduction <maximumf>, %select_n3A_951, %reduce_max3A_952 [1] : vector<128x128xf32> to vector<128xf32>
    %broadcast_in_dim3A_954 = vector.shape_cast %reduce_max3A_953 : vector<128xf32> to vector<128x1xf32>
    %sub3A_955 = vector.broadcast %broadcast_in_dim3A_954 : vector<128x1xf32> to vector<128x128xf32>
    %sub3A_956 = arith.subf %select_n3A_951, %sub3A_955 : vector<128x128xf32>
    %exp3A_957 = math.exp %sub3A_956 : vector<128x128xf32>
    %reduce_sum3A_958 = arith.constant dense<0.000000e+00> : vector<128xf32>
    %reduce_sum3A_959 = vector.multi_reduction <add>, %exp3A_957, %reduce_sum3A_958 [1] : vector<128x128xf32> to vector<128xf32>
    %broadcast_in_dim3A_960 = vector.shape_cast %reduce_sum3A_959 : vector<128xf32> to vector<128x1xf32>
    %add3A_961 = arith.constant 1.000000e-16 : f32
    %add3A_962 = vector.broadcast %add3A_961 : f32 to vector<128x1xf32>
    %add3A_963 = arith.addf %broadcast_in_dim3A_960, %add3A_962 : vector<128x1xf32>
    %div3A_964 = vector.broadcast %add3A_963 : vector<128x1xf32> to vector<128x128xf32>
    %div3A_965 = arith.divf %exp3A_957, %div3A_964 : vector<128x128xf32>
    %slice3A_966 = vector.extract_strided_slice %dot_general3A_726 {offsets = [0, 56], sizes = [128, 8], strides = [1, 1]} : vector<128x64xf32> to vector<128x8xf32>
    %dot_general3A_967 = arith.constant dense<0.000000e+00> : vector<128x8xf32>
    %dot_general3A_968 = tpu.matmul %div3A_965, %slice3A_966, %dot_general3A_967 {dimension_numbers = #tpu.dot_dimension_numbers<[1], [0], [0], [1], [0, 0, 1, 1], [], []>, transpose_lhs_hint = false} : vector<128x128xf32>, vector<128x8xf32>, vector<128x8xf32> -> vector<128x8xf32>
    %concatenate3A_969 = tpu.concatenate %dot_general3A_765, %dot_general3A_794, %dot_general3A_823, %dot_general3A_852, %dot_general3A_881, %dot_general3A_910, %dot_general3A_939, %dot_general3A_968 in 1 : vector<128x8xf32>, vector<128x8xf32>, vector<128x8xf32>, vector<128x8xf32>, vector<128x8xf32>, vector<128x8xf32>, vector<128x8xf32>, vector<128x8xf32> -> vector<128x64xf32>
    %get3A_970 = arith.constant 0 : index
    %get3A_971 = arith.constant 0 : index
    %get3A_972 = vector.load %arg5[%get3A_970, %get3A_971] : memref<1x64xf32, #tpu.memory_space<vmem>>, vector<1x64xf32>
    %add3A_973 = vector.broadcast %get3A_972 : vector<1x64xf32> to vector<128x64xf32>
    %add3A_974 = arith.addf %concatenate3A_969, %add3A_973 : vector<128x64xf32>
    %gt3A_975 = arith.constant 0.000000e+00 : f32
    %gt3A_976 = vector.broadcast %gt3A_975 : f32 to vector<128x64xf32>
    %gt3A_977 = arith.cmpf ogt, %add3A_974, %gt3A_976 : vector<128x64xf32>
    %min3A_978 = arith.constant 0.000000e+00 : f32
    %min3A_979 = vector.broadcast %min3A_978 : f32 to vector<128x64xf32>
    %min3A_980 = arith.minimumf %add3A_974, %min3A_979 : vector<128x64xf32>
    %exp3A_981 = math.exp %min3A_980 : vector<128x64xf32>
    %sub3A_982 = arith.constant 1.000000e+00 : f32
    %sub3A_983 = vector.broadcast %sub3A_982 : f32 to vector<128x64xf32>
    %sub3A_984 = arith.subf %exp3A_981, %sub3A_983 : vector<128x64xf32>
    %select_n3A_985 = arith.select %gt3A_977, %add3A_974, %sub3A_984 : vector<128x64xi1>, vector<128x64xf32>
    %get3A_986 = arith.constant 0 : index
    %get3A_987 = arith.constant 0 : index
    %get3A_988 = vector.load %arg6[%get3A_986, %get3A_987] : memref<64x1xf32, #tpu.memory_space<vmem>>, vector<64x1xf32>
    %dot_general3A_989 = arith.constant dense<0.000000e+00> : vector<128x1xf32>
    %dot_general3A_990 = tpu.matmul %select_n3A_985, %get3A_988, %dot_general3A_989 {dimension_numbers = #tpu.dot_dimension_numbers<[1], [0], [0], [1], [0, 0, 1, 1], [], []>, transpose_lhs_hint = false} : vector<128x64xf32>, vector<64x1xf32>, vector<128x1xf32> -> vector<128x1xf32>
    %get3A_991 = arith.constant 0 : index
    %get3A_992 = arith.constant 0 : index
    %get3A_993 = vector.load %arg7[%get3A_991, %get3A_992] : memref<1x64xf32, #tpu.memory_space<vmem>>, vector<1x64xf32>
    %dot_general3A_994 = arith.constant dense<0.000000e+00> : vector<1x128xf32>
    %dot_general3A_995 = tpu.matmul %get3A_993, %select_n3A_985, %dot_general3A_994 {dimension_numbers = #tpu.dot_dimension_numbers<[1], [1], [0], [0], [0, 0, 1, 0], [], []>, transpose_lhs_hint = false} : vector<1x64xf32>, vector<128x64xf32>, vector<1x128xf32> -> vector<1x128xf32>
    %add3A_996 = vector.broadcast %dot_general3A_990 : vector<128x1xf32> to vector<128x128xf32>
    %add3A_997 = vector.broadcast %dot_general3A_995 : vector<1x128xf32> to vector<128x128xf32>
    %add3A_998 = arith.addf %add3A_996, %add3A_997 : vector<128x128xf32>
    %ge3A_999 = arith.constant 0.000000e+00 : f32
    %ge3A_1000 = vector.broadcast %ge3A_999 : f32 to vector<128x128xf32>
    %ge3A_1001 = arith.cmpf oge, %add3A_998, %ge3A_1000 : vector<128x128xf32>
    %mul3A_1002 = arith.constant 2.000000e-01 : f32
    %mul3A_1003 = vector.broadcast %mul3A_1002 : f32 to vector<128x128xf32>
    %mul3A_1004 = arith.mulf %mul3A_1003, %add3A_998 : vector<128x128xf32>
    %select_n3A_1005 = arith.select %ge3A_1001, %add3A_998, %mul3A_1004 : vector<128x128xi1>, vector<128x128xf32>
    %reduce_max3A_1006 = arith.constant dense<0xFF800000> : vector<128xf32>
    %reduce_max3A_1007 = vector.multi_reduction <maximumf>, %select_n3A_1005, %reduce_max3A_1006 [1] : vector<128x128xf32> to vector<128xf32>
    %broadcast_in_dim3A_1008 = vector.shape_cast %reduce_max3A_1007 : vector<128xf32> to vector<128x1xf32>
    %sub3A_1009 = vector.broadcast %broadcast_in_dim3A_1008 : vector<128x1xf32> to vector<128x128xf32>
    %sub3A_1010 = arith.subf %select_n3A_1005, %sub3A_1009 : vector<128x128xf32>
    %exp3A_1011 = math.exp %sub3A_1010 : vector<128x128xf32>
    %reduce_sum3A_1012 = arith.constant dense<0.000000e+00> : vector<128xf32>
    %reduce_sum3A_1013 = vector.multi_reduction <add>, %exp3A_1011, %reduce_sum3A_1012 [1] : vector<128x128xf32> to vector<128xf32>
    %broadcast_in_dim3A_1014 = vector.shape_cast %reduce_sum3A_1013 : vector<128xf32> to vector<128x1xf32>
    %add3A_1015 = arith.constant 1.000000e-16 : f32
    %add3A_1016 = vector.broadcast %add3A_1015 : f32 to vector<128x1xf32>
    %add3A_1017 = arith.addf %broadcast_in_dim3A_1014, %add3A_1016 : vector<128x1xf32>
    %div3A_1018 = vector.broadcast %add3A_1017 : vector<128x1xf32> to vector<128x128xf32>
    %div3A_1019 = arith.divf %exp3A_1011, %div3A_1018 : vector<128x128xf32>
    %get3A_1020 = arith.constant 0 : index
    %get3A_1021 = arith.constant 0 : index
    %get3A_1022 = vector.load %arg8[%get3A_1020, %get3A_1021] : memref<1x128xf32, #tpu.memory_space<vmem>>, vector<1x128xf32>
    %dot_general3A_1023 = arith.constant dense<0.000000e+00> : vector<1x128xf32>
    %dot_general3A_1024 = tpu.matmul %get3A_1022, %div3A_1019, %dot_general3A_1023 {dimension_numbers = #tpu.dot_dimension_numbers<[1], [0], [0], [1], [0, 0, 1, 1], [], []>, transpose_lhs_hint = false} : vector<1x128xf32>, vector<128x128xf32>, vector<1x128xf32> -> vector<1x128xf32>
    %get3A_1025 = arith.constant 2 : index
    %get3A_1026 = arith.constant 0 : index
    %get3A_1027 = arith.constant 0 : index
    %get3A_1028 = vector.load %arg9[%get3A_1025, %get3A_1026, %get3A_1027] : memref<4x1x128xf32, #tpu.memory_space<vmem>>, vector<1x1x128xf32>
    %get3A_1029 = vector.shape_cast %get3A_1028 : vector<1x1x128xf32> to vector<1x128xf32>
    %gt3A_1030 = arith.constant 0.000000e+00 : f32
    %gt3A_1031 = vector.broadcast %gt3A_1030 : f32 to vector<1x128xf32>
    %gt3A_1032 = arith.cmpf ogt, %get3A_1029, %gt3A_1031 : vector<1x128xf32>
    %jit3A_1033 = arith.constant 0xFF800000 : f32
    %broadcast_in_dim3A_1034 = vector.broadcast %jit3A_1033 : f32 to vector<1x128xf32>
    %select_n3A_1035 = arith.select %gt3A_1032, %dot_general3A_1024, %broadcast_in_dim3A_1034 : vector<1x128xi1>, vector<1x128xf32>
    %reduce_max3A_1036 = arith.constant dense<0xFF800000> : vector<1xf32>
    %reduce_max3A_1037 = vector.multi_reduction <maximumf>, %select_n3A_1035, %reduce_max3A_1036 [1] : vector<1x128xf32> to vector<1xf32>
    %broadcast_in_dim3A_1038 = vector.shape_cast %reduce_max3A_1037 : vector<1xf32> to vector<1x1xf32>
    %sub3A_1039 = vector.broadcast %broadcast_in_dim3A_1038 : vector<1x1xf32> to vector<1x128xf32>
    %sub3A_1040 = arith.subf %select_n3A_1035, %sub3A_1039 : vector<1x128xf32>
    %exp3A_1041 = math.exp %sub3A_1040 : vector<1x128xf32>
    %reduce_sum3A_1042 = arith.constant dense<0.000000e+00> : vector<1xf32>
    %reduce_sum3A_1043 = vector.multi_reduction <add>, %exp3A_1041, %reduce_sum3A_1042 [1] : vector<1x128xf32> to vector<1xf32>
    %broadcast_in_dim3A_1044 = vector.shape_cast %reduce_sum3A_1043 : vector<1xf32> to vector<1x1xf32>
    %div3A_1045 = vector.broadcast %broadcast_in_dim3A_1044 : vector<1x1xf32> to vector<1x128xf32>
    %div3A_1046 = arith.divf %exp3A_1041, %div3A_1045 : vector<1x128xf32>
    %swap3A_1047 = arith.constant 2 : index
    %swap3A_1048 = arith.constant 0 : index
    %swap3A_1049 = arith.constant 0 : index
    %swap3A_1050 = vector.load %arg14[%swap3A_1047, %swap3A_1048, %swap3A_1049] : memref<4x1x128xf32, #tpu.memory_space<vmem>>, vector<1x1x128xf32>
    %swap3A_1051 = vector.shape_cast %swap3A_1050 : vector<1x1x128xf32> to vector<1x128xf32>
    %swap3A_1052 = vector.shape_cast %div3A_1046 : vector<1x128xf32> to vector<1x1x128xf32>
    tpu.vector_store %arg14[%swap3A_1047, %swap3A_1048, %swap3A_1049], %swap3A_1052 {strides = array<i32>} : memref<4x1x128xf32, #tpu.memory_space<vmem>>, vector<1x1x128xf32>,
    %dot_general3A_1053 = arith.constant dense<0.000000e+00> : vector<128x1xf32>
    %dot_general3A_1054 = tpu.matmul %convert_element_type3A_1, %div3A_1046, %dot_general3A_1053 {dimension_numbers = #tpu.dot_dimension_numbers<[1], [1], [0], [0], [0, 0, 1, 0], [], []>, transpose_lhs_hint = false} : vector<128x128xf32>, vector<1x128xf32>, vector<128x1xf32> -> vector<128x1xf32>
    %mul3A_1055 = vector.broadcast %dot_general3A_1054 : vector<128x1xf32> to vector<128x128xf32>
    %mul3A_1056 = arith.mulf %get3A_721, %mul3A_1055 : vector<128x128xf32>
    %reduce_max3A_1057 = arith.constant dense<0xFF800000> : vector<128xf32>
    %reduce_max3A_1058 = vector.multi_reduction <maximumf>, %mul3A_1056, %reduce_max3A_1057 [0] : vector<128x128xf32> to vector<128xf32>
    %broadcast_in_dim3A_1059 = vector.shape_cast %reduce_max3A_1058 : vector<128xf32> to vector<1x128xf32>
    %get3A_1060 = arith.constant 0 : index
    %get3A_1061 = arith.constant 0 : index
    %get3A_1062 = vector.load %arg10[%get3A_1060, %get3A_1061] : memref<128x64xf32, #tpu.memory_space<vmem>>, vector<128x64xf32>
    %dot_general3A_1063 = arith.constant dense<0.000000e+00> : vector<1x64xf32>
    %dot_general3A_1064 = tpu.matmul %broadcast_in_dim3A_1059, %get3A_1062, %dot_general3A_1063 {dimension_numbers = #tpu.dot_dimension_numbers<[1], [0], [0], [1], [0, 0, 1, 1], [], []>, transpose_lhs_hint = false} : vector<1x128xf32>, vector<128x64xf32>, vector<1x64xf32> -> vector<1x64xf32>
    %get3A_1065 = arith.constant 0 : index
    %get3A_1066 = arith.constant 0 : index
    %get3A_1067 = vector.load %arg11[%get3A_1065, %get3A_1066] : memref<1x64xf32, #tpu.memory_space<vmem>>, vector<1x64xf32>
    %add3A_1068 = arith.addf %dot_general3A_1064, %get3A_1067 : vector<1x64xf32>
    %max3A_1069 = arith.constant 0.000000e+00 : f32
    %max3A_1070 = vector.broadcast %max3A_1069 : f32 to vector<1x64xf32>
    %max3A_1071 = arith.maximumf %add3A_1068, %max3A_1070 : vector<1x64xf32>
    %get3A_1072 = arith.constant 0 : index
    %get3A_1073 = arith.constant 0 : index
    %get3A_1074 = vector.load %arg12[%get3A_1072, %get3A_1073] : memref<64x2xf32, #tpu.memory_space<vmem>>, vector<64x2xf32>
    %dot_general3A_1075 = arith.constant dense<0.000000e+00> : vector<1x2xf32>
    %dot_general3A_1076 = tpu.matmul %max3A_1071, %get3A_1074, %dot_general3A_1075 {dimension_numbers = #tpu.dot_dimension_numbers<[1], [0], [0], [1], [0, 0, 1, 1], [], []>, transpose_lhs_hint = false} : vector<1x64xf32>, vector<64x2xf32>, vector<1x2xf32> -> vector<1x2xf32>
    %get3A_1077 = arith.constant 0 : index
    %get3A_1078 = arith.constant 0 : index
    %get3A_1079 = vector.load %arg13[%get3A_1077, %get3A_1078] : memref<1x2xf32, #tpu.memory_space<vmem>>, vector<1x2xf32>
    %add3A_1080 = arith.addf %dot_general3A_1076, %get3A_1079 : vector<1x2xf32>
    %swap3A_1081 = arith.constant 2 : index
    %swap3A_1082 = arith.constant 0 : index
    %swap3A_1083 = arith.constant 0 : index
    %swap3A_1084 = vector.load %arg15[%swap3A_1081, %swap3A_1082, %swap3A_1083] : memref<4x1x2xf32, #tpu.memory_space<vmem>>, vector<1x1x2xf32>
    %swap3A_1085 = vector.shape_cast %swap3A_1084 : vector<1x1x2xf32> to vector<1x2xf32>
    %swap3A_1086 = vector.shape_cast %add3A_1080 : vector<1x2xf32> to vector<1x1x2xf32>
    tpu.vector_store %arg15[%swap3A_1081, %swap3A_1082, %swap3A_1083], %swap3A_1086 {strides = array<i32>} : memref<4x1x2xf32, #tpu.memory_space<vmem>>, vector<1x1x2xf32>,
    %get3A_1087 = arith.constant 0 : index
    %get3A_1088 = arith.constant 384 : index
    %get3A_1089 = vector.load %arg1[%get3A_1087, %get3A_1088] : memref<128x512xf32, #tpu.memory_space<vmem>>, vector<128x128xf32>
    %get3A_1090 = arith.constant 0 : index
    %get3A_1091 = arith.constant 0 : index
    %get3A_1092 = vector.load %arg2[%get3A_1090, %get3A_1091] : memref<128x64xf32, #tpu.memory_space<vmem>>, vector<128x64xf32>
    %dot_general3A_1093 = arith.constant dense<0.000000e+00> : vector<128x64xf32>
    %dot_general3A_1094 = tpu.matmul %get3A_1089, %get3A_1092, %dot_general3A_1093 {dimension_numbers = #tpu.dot_dimension_numbers<[1], [0], [0], [1], [0, 0, 1, 1], [], []>, transpose_lhs_hint = false} : vector<128x128xf32>, vector<128x64xf32>, vector<128x64xf32> -> vector<128x64xf32>
    %get3A_1095 = arith.constant 0 : index
    %get3A_1096 = arith.constant 0 : index
    %get3A_1097 = vector.load %arg3[%get3A_1095, %get3A_1096] : memref<64x8xf32, #tpu.memory_space<vmem>>, vector<64x8xf32>
    %dot_general3A_1098 = arith.constant dense<0.000000e+00> : vector<128x8xf32>
    %dot_general3A_1099 = tpu.matmul %dot_general3A_1094, %get3A_1097, %dot_general3A_1098 {dimension_numbers = #tpu.dot_dimension_numbers<[1], [0], [0], [1], [0, 0, 1, 1], [], []>, transpose_lhs_hint = false} : vector<128x64xf32>, vector<64x8xf32>, vector<128x8xf32> -> vector<128x8xf32>
    %get3A_1100 = arith.constant 0 : index
    %get3A_1101 = arith.constant 0 : index
    %get3A_1102 = vector.load %arg4[%get3A_1100, %get3A_1101] : memref<8x64xf32, #tpu.memory_space<vmem>>, vector<8x64xf32>
    %dot_general3A_1103 = arith.constant dense<0.000000e+00> : vector<8x128xf32>
    %dot_general3A_1104 = tpu.matmul %get3A_1102, %dot_general3A_1094, %dot_general3A_1103 {dimension_numbers = #tpu.dot_dimension_numbers<[1], [1], [0], [0], [0, 0, 1, 0], [], []>, transpose_lhs_hint = false} : vector<8x64xf32>, vector<128x64xf32>, vector<8x128xf32> -> vector<8x128xf32>
    %slice3A_1105 = vector.extract_strided_slice %dot_general3A_1099 {offsets = [0, 0], sizes = [128, 1], strides = [1, 1]} : vector<128x8xf32> to vector<128x1xf32>
    %slice3A_1106 = vector.extract_strided_slice %dot_general3A_1104 {offsets = [0, 0], sizes = [1, 128], strides = [1, 1]} : vector<8x128xf32> to vector<1x128xf32>
    %add3A_1107 = vector.broadcast %slice3A_1105 : vector<128x1xf32> to vector<128x128xf32>
    %add3A_1108 = vector.broadcast %slice3A_1106 : vector<1x128xf32> to vector<128x128xf32>
    %add3A_1109 = arith.addf %add3A_1107, %add3A_1108 : vector<128x128xf32>
    %ge3A_1110 = arith.constant 0.000000e+00 : f32
    %ge3A_1111 = vector.broadcast %ge3A_1110 : f32 to vector<128x128xf32>
    %ge3A_1112 = arith.cmpf oge, %add3A_1109, %ge3A_1111 : vector<128x128xf32>
    %mul3A_1113 = arith.constant 2.000000e-01 : f32
    %mul3A_1114 = vector.broadcast %mul3A_1113 : f32 to vector<128x128xf32>
    %mul3A_1115 = arith.mulf %mul3A_1114, %add3A_1109 : vector<128x128xf32>
    %select_n3A_1116 = arith.select %ge3A_1112, %add3A_1109, %mul3A_1115 : vector<128x128xi1>, vector<128x128xf32>
    %reduce_max3A_1117 = arith.constant dense<0xFF800000> : vector<128xf32>
    %reduce_max3A_1118 = vector.multi_reduction <maximumf>, %select_n3A_1116, %reduce_max3A_1117 [1] : vector<128x128xf32> to vector<128xf32>
    %broadcast_in_dim3A_1119 = vector.shape_cast %reduce_max3A_1118 : vector<128xf32> to vector<128x1xf32>
    %sub3A_1120 = vector.broadcast %broadcast_in_dim3A_1119 : vector<128x1xf32> to vector<128x128xf32>
    %sub3A_1121 = arith.subf %select_n3A_1116, %sub3A_1120 : vector<128x128xf32>
    %exp3A_1122 = math.exp %sub3A_1121 : vector<128x128xf32>
    %reduce_sum3A_1123 = arith.constant dense<0.000000e+00> : vector<128xf32>
    %reduce_sum3A_1124 = vector.multi_reduction <add>, %exp3A_1122, %reduce_sum3A_1123 [1] : vector<128x128xf32> to vector<128xf32>
    %broadcast_in_dim3A_1125 = vector.shape_cast %reduce_sum3A_1124 : vector<128xf32> to vector<128x1xf32>
    %add3A_1126 = arith.constant 1.000000e-16 : f32
    %add3A_1127 = vector.broadcast %add3A_1126 : f32 to vector<128x1xf32>
    %add3A_1128 = arith.addf %broadcast_in_dim3A_1125, %add3A_1127 : vector<128x1xf32>
    %div3A_1129 = vector.broadcast %add3A_1128 : vector<128x1xf32> to vector<128x128xf32>
    %div3A_1130 = arith.divf %exp3A_1122, %div3A_1129 : vector<128x128xf32>
    %slice3A_1131 = vector.extract_strided_slice %dot_general3A_1094 {offsets = [0, 0], sizes = [128, 8], strides = [1, 1]} : vector<128x64xf32> to vector<128x8xf32>
    %dot_general3A_1132 = arith.constant dense<0.000000e+00> : vector<128x8xf32>
    %dot_general3A_1133 = tpu.matmul %div3A_1130, %slice3A_1131, %dot_general3A_1132 {dimension_numbers = #tpu.dot_dimension_numbers<[1], [0], [0], [1], [0, 0, 1, 1], [], []>, transpose_lhs_hint = false} : vector<128x128xf32>, vector<128x8xf32>, vector<128x8xf32> -> vector<128x8xf32>
    %slice3A_1134 = vector.extract_strided_slice %dot_general3A_1099 {offsets = [0, 1], sizes = [128, 1], strides = [1, 1]} : vector<128x8xf32> to vector<128x1xf32>
    %slice3A_1135 = vector.extract_strided_slice %dot_general3A_1104 {offsets = [1, 0], sizes = [1, 128], strides = [1, 1]} : vector<8x128xf32> to vector<1x128xf32>
    %add3A_1136 = vector.broadcast %slice3A_1134 : vector<128x1xf32> to vector<128x128xf32>
    %add3A_1137 = vector.broadcast %slice3A_1135 : vector<1x128xf32> to vector<128x128xf32>
    %add3A_1138 = arith.addf %add3A_1136, %add3A_1137 : vector<128x128xf32>
    %ge3A_1139 = arith.constant 0.000000e+00 : f32
    %ge3A_1140 = vector.broadcast %ge3A_1139 : f32 to vector<128x128xf32>
    %ge3A_1141 = arith.cmpf oge, %add3A_1138, %ge3A_1140 : vector<128x128xf32>
    %mul3A_1142 = arith.constant 2.000000e-01 : f32
    %mul3A_1143 = vector.broadcast %mul3A_1142 : f32 to vector<128x128xf32>
    %mul3A_1144 = arith.mulf %mul3A_1143, %add3A_1138 : vector<128x128xf32>
    %select_n3A_1145 = arith.select %ge3A_1141, %add3A_1138, %mul3A_1144 : vector<128x128xi1>, vector<128x128xf32>
    %reduce_max3A_1146 = arith.constant dense<0xFF800000> : vector<128xf32>
    %reduce_max3A_1147 = vector.multi_reduction <maximumf>, %select_n3A_1145, %reduce_max3A_1146 [1] : vector<128x128xf32> to vector<128xf32>
    %broadcast_in_dim3A_1148 = vector.shape_cast %reduce_max3A_1147 : vector<128xf32> to vector<128x1xf32>
    %sub3A_1149 = vector.broadcast %broadcast_in_dim3A_1148 : vector<128x1xf32> to vector<128x128xf32>
    %sub3A_1150 = arith.subf %select_n3A_1145, %sub3A_1149 : vector<128x128xf32>
    %exp3A_1151 = math.exp %sub3A_1150 : vector<128x128xf32>
    %reduce_sum3A_1152 = arith.constant dense<0.000000e+00> : vector<128xf32>
    %reduce_sum3A_1153 = vector.multi_reduction <add>, %exp3A_1151, %reduce_sum3A_1152 [1] : vector<128x128xf32> to vector<128xf32>
    %broadcast_in_dim3A_1154 = vector.shape_cast %reduce_sum3A_1153 : vector<128xf32> to vector<128x1xf32>
    %add3A_1155 = arith.constant 1.000000e-16 : f32
    %add3A_1156 = vector.broadcast %add3A_1155 : f32 to vector<128x1xf32>
    %add3A_1157 = arith.addf %broadcast_in_dim3A_1154, %add3A_1156 : vector<128x1xf32>
    %div3A_1158 = vector.broadcast %add3A_1157 : vector<128x1xf32> to vector<128x128xf32>
    %div3A_1159 = arith.divf %exp3A_1151, %div3A_1158 : vector<128x128xf32>
    %slice3A_1160 = vector.extract_strided_slice %dot_general3A_1094 {offsets = [0, 8], sizes = [128, 8], strides = [1, 1]} : vector<128x64xf32> to vector<128x8xf32>
    %dot_general3A_1161 = arith.constant dense<0.000000e+00> : vector<128x8xf32>
    %dot_general3A_1162 = tpu.matmul %div3A_1159, %slice3A_1160, %dot_general3A_1161 {dimension_numbers = #tpu.dot_dimension_numbers<[1], [0], [0], [1], [0, 0, 1, 1], [], []>, transpose_lhs_hint = false} : vector<128x128xf32>, vector<128x8xf32>, vector<128x8xf32> -> vector<128x8xf32>
    %slice3A_1163 = vector.extract_strided_slice %dot_general3A_1099 {offsets = [0, 2], sizes = [128, 1], strides = [1, 1]} : vector<128x8xf32> to vector<128x1xf32>
    %slice3A_1164 = vector.extract_strided_slice %dot_general3A_1104 {offsets = [2, 0], sizes = [1, 128], strides = [1, 1]} : vector<8x128xf32> to vector<1x128xf32>
    %add3A_1165 = vector.broadcast %slice3A_1163 : vector<128x1xf32> to vector<128x128xf32>
    %add3A_1166 = vector.broadcast %slice3A_1164 : vector<1x128xf32> to vector<128x128xf32>
    %add3A_1167 = arith.addf %add3A_1165, %add3A_1166 : vector<128x128xf32>
    %ge3A_1168 = arith.constant 0.000000e+00 : f32
    %ge3A_1169 = vector.broadcast %ge3A_1168 : f32 to vector<128x128xf32>
    %ge3A_1170 = arith.cmpf oge, %add3A_1167, %ge3A_1169 : vector<128x128xf32>
    %mul3A_1171 = arith.constant 2.000000e-01 : f32
    %mul3A_1172 = vector.broadcast %mul3A_1171 : f32 to vector<128x128xf32>
    %mul3A_1173 = arith.mulf %mul3A_1172, %add3A_1167 : vector<128x128xf32>
    %select_n3A_1174 = arith.select %ge3A_1170, %add3A_1167, %mul3A_1173 : vector<128x128xi1>, vector<128x128xf32>
    %reduce_max3A_1175 = arith.constant dense<0xFF800000> : vector<128xf32>
    %reduce_max3A_1176 = vector.multi_reduction <maximumf>, %select_n3A_1174, %reduce_max3A_1175 [1] : vector<128x128xf32> to vector<128xf32>
    %broadcast_in_dim3A_1177 = vector.shape_cast %reduce_max3A_1176 : vector<128xf32> to vector<128x1xf32>
    %sub3A_1178 = vector.broadcast %broadcast_in_dim3A_1177 : vector<128x1xf32> to vector<128x128xf32>
    %sub3A_1179 = arith.subf %select_n3A_1174, %sub3A_1178 : vector<128x128xf32>
    %exp3A_1180 = math.exp %sub3A_1179 : vector<128x128xf32>
    %reduce_sum3A_1181 = arith.constant dense<0.000000e+00> : vector<128xf32>
    %reduce_sum3A_1182 = vector.multi_reduction <add>, %exp3A_1180, %reduce_sum3A_1181 [1] : vector<128x128xf32> to vector<128xf32>
    %broadcast_in_dim3A_1183 = vector.shape_cast %reduce_sum3A_1182 : vector<128xf32> to vector<128x1xf32>
    %add3A_1184 = arith.constant 1.000000e-16 : f32
    %add3A_1185 = vector.broadcast %add3A_1184 : f32 to vector<128x1xf32>
    %add3A_1186 = arith.addf %broadcast_in_dim3A_1183, %add3A_1185 : vector<128x1xf32>
    %div3A_1187 = vector.broadcast %add3A_1186 : vector<128x1xf32> to vector<128x128xf32>
    %div3A_1188 = arith.divf %exp3A_1180, %div3A_1187 : vector<128x128xf32>
    %slice3A_1189 = vector.extract_strided_slice %dot_general3A_1094 {offsets = [0, 16], sizes = [128, 8], strides = [1, 1]} : vector<128x64xf32> to vector<128x8xf32>
    %dot_general3A_1190 = arith.constant dense<0.000000e+00> : vector<128x8xf32>
    %dot_general3A_1191 = tpu.matmul %div3A_1188, %slice3A_1189, %dot_general3A_1190 {dimension_numbers = #tpu.dot_dimension_numbers<[1], [0], [0], [1], [0, 0, 1, 1], [], []>, transpose_lhs_hint = false} : vector<128x128xf32>, vector<128x8xf32>, vector<128x8xf32> -> vector<128x8xf32>
    %slice3A_1192 = vector.extract_strided_slice %dot_general3A_1099 {offsets = [0, 3], sizes = [128, 1], strides = [1, 1]} : vector<128x8xf32> to vector<128x1xf32>
    %slice3A_1193 = vector.extract_strided_slice %dot_general3A_1104 {offsets = [3, 0], sizes = [1, 128], strides = [1, 1]} : vector<8x128xf32> to vector<1x128xf32>
    %add3A_1194 = vector.broadcast %slice3A_1192 : vector<128x1xf32> to vector<128x128xf32>
    %add3A_1195 = vector.broadcast %slice3A_1193 : vector<1x128xf32> to vector<128x128xf32>
    %add3A_1196 = arith.addf %add3A_1194, %add3A_1195 : vector<128x128xf32>
    %ge3A_1197 = arith.constant 0.000000e+00 : f32
    %ge3A_1198 = vector.broadcast %ge3A_1197 : f32 to vector<128x128xf32>
    %ge3A_1199 = arith.cmpf oge, %add3A_1196, %ge3A_1198 : vector<128x128xf32>
    %mul3A_1200 = arith.constant 2.000000e-01 : f32
    %mul3A_1201 = vector.broadcast %mul3A_1200 : f32 to vector<128x128xf32>
    %mul3A_1202 = arith.mulf %mul3A_1201, %add3A_1196 : vector<128x128xf32>
    %select_n3A_1203 = arith.select %ge3A_1199, %add3A_1196, %mul3A_1202 : vector<128x128xi1>, vector<128x128xf32>
    %reduce_max3A_1204 = arith.constant dense<0xFF800000> : vector<128xf32>
    %reduce_max3A_1205 = vector.multi_reduction <maximumf>, %select_n3A_1203, %reduce_max3A_1204 [1] : vector<128x128xf32> to vector<128xf32>
    %broadcast_in_dim3A_1206 = vector.shape_cast %reduce_max3A_1205 : vector<128xf32> to vector<128x1xf32>
    %sub3A_1207 = vector.broadcast %broadcast_in_dim3A_1206 : vector<128x1xf32> to vector<128x128xf32>
    %sub3A_1208 = arith.subf %select_n3A_1203, %sub3A_1207 : vector<128x128xf32>
    %exp3A_1209 = math.exp %sub3A_1208 : vector<128x128xf32>
    %reduce_sum3A_1210 = arith.constant dense<0.000000e+00> : vector<128xf32>
    %reduce_sum3A_1211 = vector.multi_reduction <add>, %exp3A_1209, %reduce_sum3A_1210 [1] : vector<128x128xf32> to vector<128xf32>
    %broadcast_in_dim3A_1212 = vector.shape_cast %reduce_sum3A_1211 : vector<128xf32> to vector<128x1xf32>
    %add3A_1213 = arith.constant 1.000000e-16 : f32
    %add3A_1214 = vector.broadcast %add3A_1213 : f32 to vector<128x1xf32>
    %add3A_1215 = arith.addf %broadcast_in_dim3A_1212, %add3A_1214 : vector<128x1xf32>
    %div3A_1216 = vector.broadcast %add3A_1215 : vector<128x1xf32> to vector<128x128xf32>
    %div3A_1217 = arith.divf %exp3A_1209, %div3A_1216 : vector<128x128xf32>
    %slice3A_1218 = vector.extract_strided_slice %dot_general3A_1094 {offsets = [0, 24], sizes = [128, 8], strides = [1, 1]} : vector<128x64xf32> to vector<128x8xf32>
    %dot_general3A_1219 = arith.constant dense<0.000000e+00> : vector<128x8xf32>
    %dot_general3A_1220 = tpu.matmul %div3A_1217, %slice3A_1218, %dot_general3A_1219 {dimension_numbers = #tpu.dot_dimension_numbers<[1], [0], [0], [1], [0, 0, 1, 1], [], []>, transpose_lhs_hint = false} : vector<128x128xf32>, vector<128x8xf32>, vector<128x8xf32> -> vector<128x8xf32>
    %slice3A_1221 = vector.extract_strided_slice %dot_general3A_1099 {offsets = [0, 4], sizes = [128, 1], strides = [1, 1]} : vector<128x8xf32> to vector<128x1xf32>
    %slice3A_1222 = vector.extract_strided_slice %dot_general3A_1104 {offsets = [4, 0], sizes = [1, 128], strides = [1, 1]} : vector<8x128xf32> to vector<1x128xf32>
    %add3A_1223 = vector.broadcast %slice3A_1221 : vector<128x1xf32> to vector<128x128xf32>
    %add3A_1224 = vector.broadcast %slice3A_1222 : vector<1x128xf32> to vector<128x128xf32>
    %add3A_1225 = arith.addf %add3A_1223, %add3A_1224 : vector<128x128xf32>
    %ge3A_1226 = arith.constant 0.000000e+00 : f32
    %ge3A_1227 = vector.broadcast %ge3A_1226 : f32 to vector<128x128xf32>
    %ge3A_1228 = arith.cmpf oge, %add3A_1225, %ge3A_1227 : vector<128x128xf32>
    %mul3A_1229 = arith.constant 2.000000e-01 : f32
    %mul3A_1230 = vector.broadcast %mul3A_1229 : f32 to vector<128x128xf32>
    %mul3A_1231 = arith.mulf %mul3A_1230, %add3A_1225 : vector<128x128xf32>
    %select_n3A_1232 = arith.select %ge3A_1228, %add3A_1225, %mul3A_1231 : vector<128x128xi1>, vector<128x128xf32>
    %reduce_max3A_1233 = arith.constant dense<0xFF800000> : vector<128xf32>
    %reduce_max3A_1234 = vector.multi_reduction <maximumf>, %select_n3A_1232, %reduce_max3A_1233 [1] : vector<128x128xf32> to vector<128xf32>
    %broadcast_in_dim3A_1235 = vector.shape_cast %reduce_max3A_1234 : vector<128xf32> to vector<128x1xf32>
    %sub3A_1236 = vector.broadcast %broadcast_in_dim3A_1235 : vector<128x1xf32> to vector<128x128xf32>
    %sub3A_1237 = arith.subf %select_n3A_1232, %sub3A_1236 : vector<128x128xf32>
    %exp3A_1238 = math.exp %sub3A_1237 : vector<128x128xf32>
    %reduce_sum3A_1239 = arith.constant dense<0.000000e+00> : vector<128xf32>
    %reduce_sum3A_1240 = vector.multi_reduction <add>, %exp3A_1238, %reduce_sum3A_1239 [1] : vector<128x128xf32> to vector<128xf32>
    %broadcast_in_dim3A_1241 = vector.shape_cast %reduce_sum3A_1240 : vector<128xf32> to vector<128x1xf32>
    %add3A_1242 = arith.constant 1.000000e-16 : f32
    %add3A_1243 = vector.broadcast %add3A_1242 : f32 to vector<128x1xf32>
    %add3A_1244 = arith.addf %broadcast_in_dim3A_1241, %add3A_1243 : vector<128x1xf32>
    %div3A_1245 = vector.broadcast %add3A_1244 : vector<128x1xf32> to vector<128x128xf32>
    %div3A_1246 = arith.divf %exp3A_1238, %div3A_1245 : vector<128x128xf32>
    %slice3A_1247 = vector.extract_strided_slice %dot_general3A_1094 {offsets = [0, 32], sizes = [128, 8], strides = [1, 1]} : vector<128x64xf32> to vector<128x8xf32>
    %dot_general3A_1248 = arith.constant dense<0.000000e+00> : vector<128x8xf32>
    %dot_general3A_1249 = tpu.matmul %div3A_1246, %slice3A_1247, %dot_general3A_1248 {dimension_numbers = #tpu.dot_dimension_numbers<[1], [0], [0], [1], [0, 0, 1, 1], [], []>, transpose_lhs_hint = false} : vector<128x128xf32>, vector<128x8xf32>, vector<128x8xf32> -> vector<128x8xf32>
    %slice3A_1250 = vector.extract_strided_slice %dot_general3A_1099 {offsets = [0, 5], sizes = [128, 1], strides = [1, 1]} : vector<128x8xf32> to vector<128x1xf32>
    %slice3A_1251 = vector.extract_strided_slice %dot_general3A_1104 {offsets = [5, 0], sizes = [1, 128], strides = [1, 1]} : vector<8x128xf32> to vector<1x128xf32>
    %add3A_1252 = vector.broadcast %slice3A_1250 : vector<128x1xf32> to vector<128x128xf32>
    %add3A_1253 = vector.broadcast %slice3A_1251 : vector<1x128xf32> to vector<128x128xf32>
    %add3A_1254 = arith.addf %add3A_1252, %add3A_1253 : vector<128x128xf32>
    %ge3A_1255 = arith.constant 0.000000e+00 : f32
    %ge3A_1256 = vector.broadcast %ge3A_1255 : f32 to vector<128x128xf32>
    %ge3A_1257 = arith.cmpf oge, %add3A_1254, %ge3A_1256 : vector<128x128xf32>
    %mul3A_1258 = arith.constant 2.000000e-01 : f32
    %mul3A_1259 = vector.broadcast %mul3A_1258 : f32 to vector<128x128xf32>
    %mul3A_1260 = arith.mulf %mul3A_1259, %add3A_1254 : vector<128x128xf32>
    %select_n3A_1261 = arith.select %ge3A_1257, %add3A_1254, %mul3A_1260 : vector<128x128xi1>, vector<128x128xf32>
    %reduce_max3A_1262 = arith.constant dense<0xFF800000> : vector<128xf32>
    %reduce_max3A_1263 = vector.multi_reduction <maximumf>, %select_n3A_1261, %reduce_max3A_1262 [1] : vector<128x128xf32> to vector<128xf32>
    %broadcast_in_dim3A_1264 = vector.shape_cast %reduce_max3A_1263 : vector<128xf32> to vector<128x1xf32>
    %sub3A_1265 = vector.broadcast %broadcast_in_dim3A_1264 : vector<128x1xf32> to vector<128x128xf32>
    %sub3A_1266 = arith.subf %select_n3A_1261, %sub3A_1265 : vector<128x128xf32>
    %exp3A_1267 = math.exp %sub3A_1266 : vector<128x128xf32>
    %reduce_sum3A_1268 = arith.constant dense<0.000000e+00> : vector<128xf32>
    %reduce_sum3A_1269 = vector.multi_reduction <add>, %exp3A_1267, %reduce_sum3A_1268 [1] : vector<128x128xf32> to vector<128xf32>
    %broadcast_in_dim3A_1270 = vector.shape_cast %reduce_sum3A_1269 : vector<128xf32> to vector<128x1xf32>
    %add3A_1271 = arith.constant 1.000000e-16 : f32
    %add3A_1272 = vector.broadcast %add3A_1271 : f32 to vector<128x1xf32>
    %add3A_1273 = arith.addf %broadcast_in_dim3A_1270, %add3A_1272 : vector<128x1xf32>
    %div3A_1274 = vector.broadcast %add3A_1273 : vector<128x1xf32> to vector<128x128xf32>
    %div3A_1275 = arith.divf %exp3A_1267, %div3A_1274 : vector<128x128xf32>
    %slice3A_1276 = vector.extract_strided_slice %dot_general3A_1094 {offsets = [0, 40], sizes = [128, 8], strides = [1, 1]} : vector<128x64xf32> to vector<128x8xf32>
    %dot_general3A_1277 = arith.constant dense<0.000000e+00> : vector<128x8xf32>
    %dot_general3A_1278 = tpu.matmul %div3A_1275, %slice3A_1276, %dot_general3A_1277 {dimension_numbers = #tpu.dot_dimension_numbers<[1], [0], [0], [1], [0, 0, 1, 1], [], []>, transpose_lhs_hint = false} : vector<128x128xf32>, vector<128x8xf32>, vector<128x8xf32> -> vector<128x8xf32>
    %slice3A_1279 = vector.extract_strided_slice %dot_general3A_1099 {offsets = [0, 6], sizes = [128, 1], strides = [1, 1]} : vector<128x8xf32> to vector<128x1xf32>
    %slice3A_1280 = vector.extract_strided_slice %dot_general3A_1104 {offsets = [6, 0], sizes = [1, 128], strides = [1, 1]} : vector<8x128xf32> to vector<1x128xf32>
    %add3A_1281 = vector.broadcast %slice3A_1279 : vector<128x1xf32> to vector<128x128xf32>
    %add3A_1282 = vector.broadcast %slice3A_1280 : vector<1x128xf32> to vector<128x128xf32>
    %add3A_1283 = arith.addf %add3A_1281, %add3A_1282 : vector<128x128xf32>
    %ge3A_1284 = arith.constant 0.000000e+00 : f32
    %ge3A_1285 = vector.broadcast %ge3A_1284 : f32 to vector<128x128xf32>
    %ge3A_1286 = arith.cmpf oge, %add3A_1283, %ge3A_1285 : vector<128x128xf32>
    %mul3A_1287 = arith.constant 2.000000e-01 : f32
    %mul3A_1288 = vector.broadcast %mul3A_1287 : f32 to vector<128x128xf32>
    %mul3A_1289 = arith.mulf %mul3A_1288, %add3A_1283 : vector<128x128xf32>
    %select_n3A_1290 = arith.select %ge3A_1286, %add3A_1283, %mul3A_1289 : vector<128x128xi1>, vector<128x128xf32>
    %reduce_max3A_1291 = arith.constant dense<0xFF800000> : vector<128xf32>
    %reduce_max3A_1292 = vector.multi_reduction <maximumf>, %select_n3A_1290, %reduce_max3A_1291 [1] : vector<128x128xf32> to vector<128xf32>
    %broadcast_in_dim3A_1293 = vector.shape_cast %reduce_max3A_1292 : vector<128xf32> to vector<128x1xf32>
    %sub3A_1294 = vector.broadcast %broadcast_in_dim3A_1293 : vector<128x1xf32> to vector<128x128xf32>
    %sub3A_1295 = arith.subf %select_n3A_1290, %sub3A_1294 : vector<128x128xf32>
    %exp3A_1296 = math.exp %sub3A_1295 : vector<128x128xf32>
    %reduce_sum3A_1297 = arith.constant dense<0.000000e+00> : vector<128xf32>
    %reduce_sum3A_1298 = vector.multi_reduction <add>, %exp3A_1296, %reduce_sum3A_1297 [1] : vector<128x128xf32> to vector<128xf32>
    %broadcast_in_dim3A_1299 = vector.shape_cast %reduce_sum3A_1298 : vector<128xf32> to vector<128x1xf32>
    %add3A_1300 = arith.constant 1.000000e-16 : f32
    %add3A_1301 = vector.broadcast %add3A_1300 : f32 to vector<128x1xf32>
    %add3A_1302 = arith.addf %broadcast_in_dim3A_1299, %add3A_1301 : vector<128x1xf32>
    %div3A_1303 = vector.broadcast %add3A_1302 : vector<128x1xf32> to vector<128x128xf32>
    %div3A_1304 = arith.divf %exp3A_1296, %div3A_1303 : vector<128x128xf32>
    %slice3A_1305 = vector.extract_strided_slice %dot_general3A_1094 {offsets = [0, 48], sizes = [128, 8], strides = [1, 1]} : vector<128x64xf32> to vector<128x8xf32>
    %dot_general3A_1306 = arith.constant dense<0.000000e+00> : vector<128x8xf32>
    %dot_general3A_1307 = tpu.matmul %div3A_1304, %slice3A_1305, %dot_general3A_1306 {dimension_numbers = #tpu.dot_dimension_numbers<[1], [0], [0], [1], [0, 0, 1, 1], [], []>, transpose_lhs_hint = false} : vector<128x128xf32>, vector<128x8xf32>, vector<128x8xf32> -> vector<128x8xf32>
    %slice3A_1308 = vector.extract_strided_slice %dot_general3A_1099 {offsets = [0, 7], sizes = [128, 1], strides = [1, 1]} : vector<128x8xf32> to vector<128x1xf32>
    %slice3A_1309 = vector.extract_strided_slice %dot_general3A_1104 {offsets = [7, 0], sizes = [1, 128], strides = [1, 1]} : vector<8x128xf32> to vector<1x128xf32>
    %add3A_1310 = vector.broadcast %slice3A_1308 : vector<128x1xf32> to vector<128x128xf32>
    %add3A_1311 = vector.broadcast %slice3A_1309 : vector<1x128xf32> to vector<128x128xf32>
    %add3A_1312 = arith.addf %add3A_1310, %add3A_1311 : vector<128x128xf32>
    %ge3A_1313 = arith.constant 0.000000e+00 : f32
    %ge3A_1314 = vector.broadcast %ge3A_1313 : f32 to vector<128x128xf32>
    %ge3A_1315 = arith.cmpf oge, %add3A_1312, %ge3A_1314 : vector<128x128xf32>
    %mul3A_1316 = arith.constant 2.000000e-01 : f32
    %mul3A_1317 = vector.broadcast %mul3A_1316 : f32 to vector<128x128xf32>
    %mul3A_1318 = arith.mulf %mul3A_1317, %add3A_1312 : vector<128x128xf32>
    %select_n3A_1319 = arith.select %ge3A_1315, %add3A_1312, %mul3A_1318 : vector<128x128xi1>, vector<128x128xf32>
    %reduce_max3A_1320 = arith.constant dense<0xFF800000> : vector<128xf32>
    %reduce_max3A_1321 = vector.multi_reduction <maximumf>, %select_n3A_1319, %reduce_max3A_1320 [1] : vector<128x128xf32> to vector<128xf32>
    %broadcast_in_dim3A_1322 = vector.shape_cast %reduce_max3A_1321 : vector<128xf32> to vector<128x1xf32>
    %sub3A_1323 = vector.broadcast %broadcast_in_dim3A_1322 : vector<128x1xf32> to vector<128x128xf32>
    %sub3A_1324 = arith.subf %select_n3A_1319, %sub3A_1323 : vector<128x128xf32>
    %exp3A_1325 = math.exp %sub3A_1324 : vector<128x128xf32>
    %reduce_sum3A_1326 = arith.constant dense<0.000000e+00> : vector<128xf32>
    %reduce_sum3A_1327 = vector.multi_reduction <add>, %exp3A_1325, %reduce_sum3A_1326 [1] : vector<128x128xf32> to vector<128xf32>
    %broadcast_in_dim3A_1328 = vector.shape_cast %reduce_sum3A_1327 : vector<128xf32> to vector<128x1xf32>
    %add3A_1329 = arith.constant 1.000000e-16 : f32
    %add3A_1330 = vector.broadcast %add3A_1329 : f32 to vector<128x1xf32>
    %add3A_1331 = arith.addf %broadcast_in_dim3A_1328, %add3A_1330 : vector<128x1xf32>
    %div3A_1332 = vector.broadcast %add3A_1331 : vector<128x1xf32> to vector<128x128xf32>
    %div3A_1333 = arith.divf %exp3A_1325, %div3A_1332 : vector<128x128xf32>
    %slice3A_1334 = vector.extract_strided_slice %dot_general3A_1094 {offsets = [0, 56], sizes = [128, 8], strides = [1, 1]} : vector<128x64xf32> to vector<128x8xf32>
    %dot_general3A_1335 = arith.constant dense<0.000000e+00> : vector<128x8xf32>
    %dot_general3A_1336 = tpu.matmul %div3A_1333, %slice3A_1334, %dot_general3A_1335 {dimension_numbers = #tpu.dot_dimension_numbers<[1], [0], [0], [1], [0, 0, 1, 1], [], []>, transpose_lhs_hint = false} : vector<128x128xf32>, vector<128x8xf32>, vector<128x8xf32> -> vector<128x8xf32>
    %concatenate3A_1337 = tpu.concatenate %dot_general3A_1133, %dot_general3A_1162, %dot_general3A_1191, %dot_general3A_1220, %dot_general3A_1249, %dot_general3A_1278, %dot_general3A_1307, %dot_general3A_1336 in 1 : vector<128x8xf32>, vector<128x8xf32>, vector<128x8xf32>, vector<128x8xf32>, vector<128x8xf32>, vector<128x8xf32>, vector<128x8xf32>, vector<128x8xf32> -> vector<128x64xf32>
    %get3A_1338 = arith.constant 0 : index
    %get3A_1339 = arith.constant 0 : index
    %get3A_1340 = vector.load %arg5[%get3A_1338, %get3A_1339] : memref<1x64xf32, #tpu.memory_space<vmem>>, vector<1x64xf32>
    %add3A_1341 = vector.broadcast %get3A_1340 : vector<1x64xf32> to vector<128x64xf32>
    %add3A_1342 = arith.addf %concatenate3A_1337, %add3A_1341 : vector<128x64xf32>
    %gt3A_1343 = arith.constant 0.000000e+00 : f32
    %gt3A_1344 = vector.broadcast %gt3A_1343 : f32 to vector<128x64xf32>
    %gt3A_1345 = arith.cmpf ogt, %add3A_1342, %gt3A_1344 : vector<128x64xf32>
    %min3A_1346 = arith.constant 0.000000e+00 : f32
    %min3A_1347 = vector.broadcast %min3A_1346 : f32 to vector<128x64xf32>
    %min3A_1348 = arith.minimumf %add3A_1342, %min3A_1347 : vector<128x64xf32>
    %exp3A_1349 = math.exp %min3A_1348 : vector<128x64xf32>
    %sub3A_1350 = arith.constant 1.000000e+00 : f32
    %sub3A_1351 = vector.broadcast %sub3A_1350 : f32 to vector<128x64xf32>
    %sub3A_1352 = arith.subf %exp3A_1349, %sub3A_1351 : vector<128x64xf32>
    %select_n3A_1353 = arith.select %gt3A_1345, %add3A_1342, %sub3A_1352 : vector<128x64xi1>, vector<128x64xf32>
    %get3A_1354 = arith.constant 0 : index
    %get3A_1355 = arith.constant 0 : index
    %get3A_1356 = vector.load %arg6[%get3A_1354, %get3A_1355] : memref<64x1xf32, #tpu.memory_space<vmem>>, vector<64x1xf32>
    %dot_general3A_1357 = arith.constant dense<0.000000e+00> : vector<128x1xf32>
    %dot_general3A_1358 = tpu.matmul %select_n3A_1353, %get3A_1356, %dot_general3A_1357 {dimension_numbers = #tpu.dot_dimension_numbers<[1], [0], [0], [1], [0, 0, 1, 1], [], []>, transpose_lhs_hint = false} : vector<128x64xf32>, vector<64x1xf32>, vector<128x1xf32> -> vector<128x1xf32>
    %get3A_1359 = arith.constant 0 : index
    %get3A_1360 = arith.constant 0 : index
    %get3A_1361 = vector.load %arg7[%get3A_1359, %get3A_1360] : memref<1x64xf32, #tpu.memory_space<vmem>>, vector<1x64xf32>
    %dot_general3A_1362 = arith.constant dense<0.000000e+00> : vector<1x128xf32>
    %dot_general3A_1363 = tpu.matmul %get3A_1361, %select_n3A_1353, %dot_general3A_1362 {dimension_numbers = #tpu.dot_dimension_numbers<[1], [1], [0], [0], [0, 0, 1, 0], [], []>, transpose_lhs_hint = false} : vector<1x64xf32>, vector<128x64xf32>, vector<1x128xf32> -> vector<1x128xf32>
    %add3A_1364 = vector.broadcast %dot_general3A_1358 : vector<128x1xf32> to vector<128x128xf32>
    %add3A_1365 = vector.broadcast %dot_general3A_1363 : vector<1x128xf32> to vector<128x128xf32>
    %add3A_1366 = arith.addf %add3A_1364, %add3A_1365 : vector<128x128xf32>
    %ge3A_1367 = arith.constant 0.000000e+00 : f32
    %ge3A_1368 = vector.broadcast %ge3A_1367 : f32 to vector<128x128xf32>
    %ge3A_1369 = arith.cmpf oge, %add3A_1366, %ge3A_1368 : vector<128x128xf32>
    %mul3A_1370 = arith.constant 2.000000e-01 : f32
    %mul3A_1371 = vector.broadcast %mul3A_1370 : f32 to vector<128x128xf32>
    %mul3A_1372 = arith.mulf %mul3A_1371, %add3A_1366 : vector<128x128xf32>
    %select_n3A_1373 = arith.select %ge3A_1369, %add3A_1366, %mul3A_1372 : vector<128x128xi1>, vector<128x128xf32>
    %reduce_max3A_1374 = arith.constant dense<0xFF800000> : vector<128xf32>
    %reduce_max3A_1375 = vector.multi_reduction <maximumf>, %select_n3A_1373, %reduce_max3A_1374 [1] : vector<128x128xf32> to vector<128xf32>
    %broadcast_in_dim3A_1376 = vector.shape_cast %reduce_max3A_1375 : vector<128xf32> to vector<128x1xf32>
    %sub3A_1377 = vector.broadcast %broadcast_in_dim3A_1376 : vector<128x1xf32> to vector<128x128xf32>
    %sub3A_1378 = arith.subf %select_n3A_1373, %sub3A_1377 : vector<128x128xf32>
    %exp3A_1379 = math.exp %sub3A_1378 : vector<128x128xf32>
    %reduce_sum3A_1380 = arith.constant dense<0.000000e+00> : vector<128xf32>
    %reduce_sum3A_1381 = vector.multi_reduction <add>, %exp3A_1379, %reduce_sum3A_1380 [1] : vector<128x128xf32> to vector<128xf32>
    %broadcast_in_dim3A_1382 = vector.shape_cast %reduce_sum3A_1381 : vector<128xf32> to vector<128x1xf32>
    %add3A_1383 = arith.constant 1.000000e-16 : f32
    %add3A_1384 = vector.broadcast %add3A_1383 : f32 to vector<128x1xf32>
    %add3A_1385 = arith.addf %broadcast_in_dim3A_1382, %add3A_1384 : vector<128x1xf32>
    %div3A_1386 = vector.broadcast %add3A_1385 : vector<128x1xf32> to vector<128x128xf32>
    %div3A_1387 = arith.divf %exp3A_1379, %div3A_1386 : vector<128x128xf32>
    %get3A_1388 = arith.constant 0 : index
    %get3A_1389 = arith.constant 0 : index
    %get3A_1390 = vector.load %arg8[%get3A_1388, %get3A_1389] : memref<1x128xf32, #tpu.memory_space<vmem>>, vector<1x128xf32>
    %dot_general3A_1391 = arith.constant dense<0.000000e+00> : vector<1x128xf32>
    %dot_general3A_1392 = tpu.matmul %get3A_1390, %div3A_1387, %dot_general3A_1391 {dimension_numbers = #tpu.dot_dimension_numbers<[1], [0], [0], [1], [0, 0, 1, 1], [], []>, transpose_lhs_hint = false} : vector<1x128xf32>, vector<128x128xf32>, vector<1x128xf32> -> vector<1x128xf32>
    %get3A_1393 = arith.constant 3 : index
    %get3A_1394 = arith.constant 0 : index
    %get3A_1395 = arith.constant 0 : index
    %get3A_1396 = vector.load %arg9[%get3A_1393, %get3A_1394, %get3A_1395] : memref<4x1x128xf32, #tpu.memory_space<vmem>>, vector<1x1x128xf32>
    %get3A_1397 = vector.shape_cast %get3A_1396 : vector<1x1x128xf32> to vector<1x128xf32>
    %gt3A_1398 = arith.constant 0.000000e+00 : f32
    %gt3A_1399 = vector.broadcast %gt3A_1398 : f32 to vector<1x128xf32>
    %gt3A_1400 = arith.cmpf ogt, %get3A_1397, %gt3A_1399 : vector<1x128xf32>
    %jit3A_1401 = arith.constant 0xFF800000 : f32
    %broadcast_in_dim3A_1402 = vector.broadcast %jit3A_1401 : f32 to vector<1x128xf32>
    %select_n3A_1403 = arith.select %gt3A_1400, %dot_general3A_1392, %broadcast_in_dim3A_1402 : vector<1x128xi1>, vector<1x128xf32>
    %reduce_max3A_1404 = arith.constant dense<0xFF800000> : vector<1xf32>
    %reduce_max3A_1405 = vector.multi_reduction <maximumf>, %select_n3A_1403, %reduce_max3A_1404 [1] : vector<1x128xf32> to vector<1xf32>
    %broadcast_in_dim3A_1406 = vector.shape_cast %reduce_max3A_1405 : vector<1xf32> to vector<1x1xf32>
    %sub3A_1407 = vector.broadcast %broadcast_in_dim3A_1406 : vector<1x1xf32> to vector<1x128xf32>
    %sub3A_1408 = arith.subf %select_n3A_1403, %sub3A_1407 : vector<1x128xf32>
    %exp3A_1409 = math.exp %sub3A_1408 : vector<1x128xf32>
    %reduce_sum3A_1410 = arith.constant dense<0.000000e+00> : vector<1xf32>
    %reduce_sum3A_1411 = vector.multi_reduction <add>, %exp3A_1409, %reduce_sum3A_1410 [1] : vector<1x128xf32> to vector<1xf32>
    %broadcast_in_dim3A_1412 = vector.shape_cast %reduce_sum3A_1411 : vector<1xf32> to vector<1x1xf32>
    %div3A_1413 = vector.broadcast %broadcast_in_dim3A_1412 : vector<1x1xf32> to vector<1x128xf32>
    %div3A_1414 = arith.divf %exp3A_1409, %div3A_1413 : vector<1x128xf32>
    %swap3A_1415 = arith.constant 3 : index
    %swap3A_1416 = arith.constant 0 : index
    %swap3A_1417 = arith.constant 0 : index
    %swap3A_1418 = vector.load %arg14[%swap3A_1415, %swap3A_1416, %swap3A_1417] : memref<4x1x128xf32, #tpu.memory_space<vmem>>, vector<1x1x128xf32>
    %swap3A_1419 = vector.shape_cast %swap3A_1418 : vector<1x1x128xf32> to vector<1x128xf32>
    %swap3A_1420 = vector.shape_cast %div3A_1414 : vector<1x128xf32> to vector<1x1x128xf32>
    tpu.vector_store %arg14[%swap3A_1415, %swap3A_1416, %swap3A_1417], %swap3A_1420 {strides = array<i32>} : memref<4x1x128xf32, #tpu.memory_space<vmem>>, vector<1x1x128xf32>,
    %dot_general3A_1421 = arith.constant dense<0.000000e+00> : vector<128x1xf32>
    %dot_general3A_1422 = tpu.matmul %convert_element_type3A_1, %div3A_1414, %dot_general3A_1421 {dimension_numbers = #tpu.dot_dimension_numbers<[1], [1], [0], [0], [0, 0, 1, 0], [], []>, transpose_lhs_hint = false} : vector<128x128xf32>, vector<1x128xf32>, vector<128x1xf32> -> vector<128x1xf32>
    %mul3A_1423 = vector.broadcast %dot_general3A_1422 : vector<128x1xf32> to vector<128x128xf32>
    %mul3A_1424 = arith.mulf %get3A_1089, %mul3A_1423 : vector<128x128xf32>
    %reduce_max3A_1425 = arith.constant dense<0xFF800000> : vector<128xf32>
    %reduce_max3A_1426 = vector.multi_reduction <maximumf>, %mul3A_1424, %reduce_max3A_1425 [0] : vector<128x128xf32> to vector<128xf32>
    %broadcast_in_dim3A_1427 = vector.shape_cast %reduce_max3A_1426 : vector<128xf32> to vector<1x128xf32>
    %get3A_1428 = arith.constant 0 : index
    %get3A_1429 = arith.constant 0 : index
    %get3A_1430 = vector.load %arg10[%get3A_1428, %get3A_1429] : memref<128x64xf32, #tpu.memory_space<vmem>>, vector<128x64xf32>
    %dot_general3A_1431 = arith.constant dense<0.000000e+00> : vector<1x64xf32>
    %dot_general3A_1432 = tpu.matmul %broadcast_in_dim3A_1427, %get3A_1430, %dot_general3A_1431 {dimension_numbers = #tpu.dot_dimension_numbers<[1], [0], [0], [1], [0, 0, 1, 1], [], []>, transpose_lhs_hint = false} : vector<1x128xf32>, vector<128x64xf32>, vector<1x64xf32> -> vector<1x64xf32>
    %get3A_1433 = arith.constant 0 : index
    %get3A_1434 = arith.constant 0 : index
    %get3A_1435 = vector.load %arg11[%get3A_1433, %get3A_1434] : memref<1x64xf32, #tpu.memory_space<vmem>>, vector<1x64xf32>
    %add3A_1436 = arith.addf %dot_general3A_1432, %get3A_1435 : vector<1x64xf32>
    %max3A_1437 = arith.constant 0.000000e+00 : f32
    %max3A_1438 = vector.broadcast %max3A_1437 : f32 to vector<1x64xf32>
    %max3A_1439 = arith.maximumf %add3A_1436, %max3A_1438 : vector<1x64xf32>
    %get3A_1440 = arith.constant 0 : index
    %get3A_1441 = arith.constant 0 : index
    %get3A_1442 = vector.load %arg12[%get3A_1440, %get3A_1441] : memref<64x2xf32, #tpu.memory_space<vmem>>, vector<64x2xf32>
    %dot_general3A_1443 = arith.constant dense<0.000000e+00> : vector<1x2xf32>
    %dot_general3A_1444 = tpu.matmul %max3A_1439, %get3A_1442, %dot_general3A_1443 {dimension_numbers = #tpu.dot_dimension_numbers<[1], [0], [0], [1], [0, 0, 1, 1], [], []>, transpose_lhs_hint = false} : vector<1x64xf32>, vector<64x2xf32>, vector<1x2xf32> -> vector<1x2xf32>
    %get3A_1445 = arith.constant 0 : index
    %get3A_1446 = arith.constant 0 : index
    %get3A_1447 = vector.load %arg13[%get3A_1445, %get3A_1446] : memref<1x2xf32, #tpu.memory_space<vmem>>, vector<1x2xf32>
    %add3A_1448 = arith.addf %dot_general3A_1444, %get3A_1447 : vector<1x2xf32>
    %swap3A_1449 = arith.constant 3 : index
    %swap3A_1450 = arith.constant 0 : index
    %swap3A_1451 = arith.constant 0 : index
    %swap3A_1452 = vector.load %arg15[%swap3A_1449, %swap3A_1450, %swap3A_1451] : memref<4x1x2xf32, #tpu.memory_space<vmem>>, vector<1x1x2xf32>
    %swap3A_1453 = vector.shape_cast %swap3A_1452 : vector<1x1x2xf32> to vector<1x2xf32>
    %swap3A_1454 = vector.shape_cast %add3A_1448 : vector<1x2xf32> to vector<1x1x2xf32>
    tpu.vector_store %arg15[%swap3A_1449, %swap3A_1450, %swap3A_1451], %swap3A_1454 {strides = array<i32>} : memref<4x1x2xf32, #tpu.memory_space<vmem>>, vector<1x1x2xf32>,
    return
  }
  func.func @transform_0(%arg0: i32) -> (i32, i32) {
    %c0_i32 = arith.constant 0 : i32
    %c0_i32_0 = arith.constant 0 : i32
    return %c0_i32, %arg0 : i32, i32
  }
  func.func @transform_1(%arg0: i32) -> (i32, i32) {
    %c0_i32 = arith.constant 0 : i32
    %c0_i32_0 = arith.constant 0 : i32
    %c0_i32_1 = arith.constant 0 : i32
    return %c0_i32, %c0_i32_0 : i32, i32
  }
  func.func @transform_2(%arg0: i32) -> (i32, i32) {
    %c0_i32 = arith.constant 0 : i32
    %c0_i32_0 = arith.constant 0 : i32
    %c0_i32_1 = arith.constant 0 : i32
    return %c0_i32, %c0_i32_0 : i32, i32
  }
  func.func @transform_3(%arg0: i32) -> (i32, i32) {
    %c0_i32 = arith.constant 0 : i32
    %c0_i32_0 = arith.constant 0 : i32
    %c0_i32_1 = arith.constant 0 : i32
    return %c0_i32, %c0_i32_0 : i32, i32
  }
  func.func @transform_4(%arg0: i32) -> (i32, i32) {
    %c0_i32 = arith.constant 0 : i32
    %c0_i32_0 = arith.constant 0 : i32
    %c0_i32_1 = arith.constant 0 : i32
    return %c0_i32, %c0_i32_0 : i32, i32
  }
  func.func @transform_5(%arg0: i32) -> (i32, i32) {
    %c0_i32 = arith.constant 0 : i32
    %c0_i32_0 = arith.constant 0 : i32
    %c0_i32_1 = arith.constant 0 : i32
    return %c0_i32, %c0_i32_0 : i32, i32
  }
  func.func @transform_6(%arg0: i32) -> (i32, i32) {
    %c0_i32 = arith.constant 0 : i32
    %c0_i32_0 = arith.constant 0 : i32
    %c0_i32_1 = arith.constant 0 : i32
    return %c0_i32, %c0_i32_0 : i32, i32
  }
  func.func @transform_7(%arg0: i32) -> (i32, i32) {
    %c0_i32 = arith.constant 0 : i32
    %c0_i32_0 = arith.constant 0 : i32
    %c0_i32_1 = arith.constant 0 : i32
    return %c0_i32, %c0_i32_0 : i32, i32
  }
  func.func @transform_8(%arg0: i32) -> (i32, i32, i32) {
    %c0_i32 = arith.constant 0 : i32
    %c0_i32_0 = arith.constant 0 : i32
    %c0_i32_1 = arith.constant 0 : i32
    return %arg0, %c0_i32, %c0_i32_0 : i32, i32, i32
  }
  func.func @transform_9(%arg0: i32) -> (i32, i32) {
    %c0_i32 = arith.constant 0 : i32
    %c0_i32_0 = arith.constant 0 : i32
    %c0_i32_1 = arith.constant 0 : i32
    return %c0_i32, %c0_i32_0 : i32, i32
  }
  func.func @transform_10(%arg0: i32) -> (i32, i32) {
    %c0_i32 = arith.constant 0 : i32
    %c0_i32_0 = arith.constant 0 : i32
    %c0_i32_1 = arith.constant 0 : i32
    return %c0_i32, %c0_i32_0 : i32, i32
  }
  func.func @transform_11(%arg0: i32) -> (i32, i32) {
    %c0_i32 = arith.constant 0 : i32
    %c0_i32_0 = arith.constant 0 : i32
    %c0_i32_1 = arith.constant 0 : i32
    return %c0_i32, %c0_i32_0 : i32, i32
  }
  func.func @transform_12(%arg0: i32) -> (i32, i32) {
    %c0_i32 = arith.constant 0 : i32
    %c0_i32_0 = arith.constant 0 : i32
    %c0_i32_1 = arith.constant 0 : i32
    return %c0_i32, %c0_i32_0 : i32, i32
  }
  func.func @transform_13(%arg0: i32) -> (i32, i32, i32) {
    %c0_i32 = arith.constant 0 : i32
    %c0_i32_0 = arith.constant 0 : i32
    %c0_i32_1 = arith.constant 0 : i32
    return %arg0, %c0_i32, %c0_i32_0 : i32, i32, i32
  }
  func.func @transform_14(%arg0: i32) -> (i32, i32, i32) {
    %c0_i32 = arith.constant 0 : i32
    %c0_i32_0 = arith.constant 0 : i32
    %c0_i32_1 = arith.constant 0 : i32
    return %arg0, %c0_i32, %c0_i32_0 : i32, i32, i32
  }
}

</mosaic_0001>

<sc_bundles>
// kernel: kernel.5.cloned.1.call-start
scs
__scs_entry_jumppad:
0x0: {  	(pc) =	sbr.rel $0x88, $3  }
0x1: {  	(tag) =	ssettag $0x0;
	lr =	simm.s32 $0x1  }
0x2: {  	[smem:$0x3F8A] =	sst lr;
	_ =	strace $0xD0000000  }
0x3: {  	_ = 	snop  }
0x4: {  	_ = 	snop  }
0x5: {  	_ = 	snop  }
0x6: {  	_ = 	snop  }
0x7: {  	_ = 	snop  }
__scs_overlays_trampoline_lowered:
0x8: {  	[smem:$0x3F99] =	sst s0  }
0x9: {  	[smem:$0x3F9A] =	sst s1  }
0xa: {  	[smem:$0x3F9B] =	sst s2  }
0xb: {  	[smem:$0x3F9C] =	sst s3  }
0xc: {  	[smem:$0x3F9D] =	sst s4  }
0xd: {  	[smem:$0x3F9E] =	sst s5  }
0xe: {  	[smem:$0x3F9F] =	sst s6  }
0xf: {  	[smem:$0x3FA0] =	sst s7  }
0x10: {  	[smem:$0x3FA1] =	sst s8  }
0x11: {  	[smem:$0x3FA2] =	sst s9;
	s0 =	simm.s32 @!p0 $0x0  }
0x12: {  	s1 =	sld [smem:$0x3F88];
	s0 =	simm.s32 @p0 $0x1  }
0x13: {  	[smem:$0x3FA3] =	sst s0;
	s0 =	simm.s32 @!p1 $0x0  }
0x14: {  	s2 =	sld [smem:$0x3F87];
	s0 =	simm.s32 @p1 $0x1  }
0x15: {  	[smem:$0x3FA4] =	sst s0;
	s0 =	simm.s32 @!p2 $0x0  }
0x16: {  	s3 =	sld [smem:$0x3FDB];
	s0 =	simm.s32 @p2 $0x1  }
0x17: {  	s4 =	simm.s32 $0x1BF5;
	[smem:$0x3FA6] =	sst s0  }
0x18: {  	s0 =	sld [smem:$0x3F89];
	_ =	swait.ge [sflag:s4], $0x0  }
0x19: {  	s7 =	sld [smem:$0x3F8A]  }
0x1a: {  	s8 =	sadd.s32 $0xFFFFE003, lr  }
0x1b: {  	s9 =	sadd.s32 $0xFFFFFEF7, lr;
	s5 =	simm.s32 $0xFFFFFFFF;
	p2 =	slt.u32 s8, $0xFFFFF086  }
0x1c: {  	p1 =	slt.u32 s9, $0xF7A;
	s5 =	simm.s32 @!p2 $0x0  }
0x1d: {  	s5 =	simm.s32 @p1 $0x1;
	p0 =	seq.s32 s7, s2  }
0x1e: {  	s7 =	smul.u32 @!p0 $0xF7A, s2;
	p2 =	seq.s32 @!p0 s5, $0x0  }
0x1f: {  	s9 =	smul.u32 $0xF7A, s1;
	s8 =	simm.s32 @!p0 $0x1BF5;
	p2 =	por !p2, p0  }
0x20: {  	[sflag:s8] =	ssyncset.s32 @!p0 $0xFFFFF086;
	s6 =	sadd.s32 @!p0 s3, s7;
	s7 =	simm.s32 @!p0 $0x108  }
0x21: {  	s3 =	sadd.s32 s3, s9;
	s6 =	sadd.s32 @!p0 $0x88, s6;
	s7 =	simm.s32 @p2 $0x1082  }
0x22: {  	[simem:s7], [sflag:s8] =	dma.local @!p0 [hbm:s6], $0xF7A  }
0x23: {  	s9 =	sor.u32 $0xD0000000, s2;
	s6 =	simm.s32 $0x108;
	_ =	swait.ge @!p0 [sflag:s8], $0x0  }
0x24: {  	s3 =	sadd.s32 $0x88, s3;
	s6 =	simm.s32 @!p1 $0x1082;
	[sflag:s4] =	ssyncset.s32 $0xFFFFF086  }
0x25: {  	[simem:s6], [sflag:s4] =	dma.local [hbm:s3], $0xF7A  }
0x26: {  	[smem:$0x3F8A] =	sst s1;
	(tag) =	ssettag s2;
	_ =	strace s9  }
0x27: {  	s1 =	sld [smem:$0x3F9A]  }
0x28: {  	s2 =	sld [smem:$0x3F9B]  }
0x29: {  	s4 =	sld [smem:$0x3F9D]  }
0x2a: {  	p0 =	seq.s32 s5, $0x0;
	s5 =	sld [smem:$0x3F9E]  }
0x2b: {  	s6 =	sld [smem:$0x3F9F]  }
0x2c: {  	s7 =	sld [smem:$0x3FA0]  }
0x2d: {  	s3 =	simm.s32 $0x108;
	s8 =	sld [smem:$0x3FA1]  }
0x2e: {  	s3 =	simm.s32 @!p0 $0x1082;
	s9 =	sld [smem:$0x3FA2]  }
0x2f: {  	lr =	sadd.s32 s0, s3;
	s0 =	sld [smem:$0x3F99]  }
0x30: {  	s3 =	sld [smem:$0x3F9C]  }
0x31: {  	[smem:$0x3FA5] =	sst s10  }
0x32: {  	s10 =	sld [smem:$0x3FA3];
	_ =	sdelay $0x3  }
0x33: {  	p0 =	seq.s32 s10, $0x1;
	s10 =	sld [smem:$0x3FA5];
	_ =	sdelay $0x3  }
0x34: {  	[smem:$0x3FA5] =	sst s10  }
0x35: {  	s10 =	sld [smem:$0x3FA4];
	_ =	sdelay $0x3  }
0x36: {  	p1 =	seq.s32 s10, $0x1;
	s10 =	sld [smem:$0x3FA5];
	_ =	sdelay $0x3  }
0x37: {  	[smem:$0x3FA5] =	sst s10  }
0x38: {  	s10 =	sld [smem:$0x3FA6]  }
0x39: {  	_ = 	snop;
	(pc) =	sbr.ind lr, $3  }
0x3a: {  	_ = 	snop  }
0x3b: {  	_ = 	snop  }
0x3c: {  	p2 =	seq.s32 s10, $0x1;
	s10 =	sld [smem:$0x3FA5]  }
0x3d: {  	_ =	shalt  }
0x3e: {  	_ =	shalt  }
0x3f: {  	_ =	shalt  }
0x40: {  	_ =	shalt  }
0x41: {  	_ =	shalt  }
0x42: {  	_ =	shalt  }
0x43: {  	_ =	shalt  }
0x44: {  	_ =	shalt  }
0x45: {  	_ =	shalt  }
0x46: {  	_ =	shalt  }
0x47: {  	_ =	shalt  }
0x48: {  	_ =	shalt  }
0x49: {  	_ =	shalt  }
0x4a: {  	_ =	shalt  }
0x4b: {  	_ =	shalt  }
0x4c: {  	_ =	shalt  }
0x4d: {  	_ =	shalt  }
0x4e: {  	_ =	shalt  }
0x4f: {  	_ =	shalt  }
0x50: {  	_ =	shalt  }
0x51: {  	_ =	shalt  }
0x52: {  	_ =	shalt  }
0x53: {  	_ =	shalt  }
0x54: {  	_ =	shalt  }
0x55: {  	_ =	shalt  }
0x56: {  	_ =	shalt  }
0x57: {  	_ =	shalt  }
0x58: {  	_ =	shalt  }
0x59: {  	_ =	shalt  }
0x5a: {  	_ =	shalt  }
0x5b: {  	_ =	shalt  }
0x5c: {  	_ =	shalt  }
0x5d: {  	_ =	shalt  }
0x5e: {  	_ =	shalt  }
0x5f: {  	_ =	shalt  }
0x60: {  	_ =	shalt  }
0x61: {  	_ =	shalt  }
0x62: {  	_ =	shalt  }
0x63: {  	_ =	shalt  }
0x64: {  	_ =	shalt  }
0x65: {  	_ =	shalt  }
0x66: {  	_ =	shalt  }
0x67: {  	_ =	shalt  }
0x68: {  	_ =	shalt  }
0x69: {  	_ =	shalt  }
0x6a: {  	_ =	shalt  }
0x6b: {  	_ =	shalt  }
0x6c: {  	_ =	shalt  }
0x6d: {  	_ =	shalt  }
0x6e: {  	_ =	shalt  }
0x6f: {  	_ =	shalt  }
0x70: {  	_ =	shalt  }
0x71: {  	_ =	shalt  }
0x72: {  	_ =	shalt  }
0x73: {  	_ =	shalt  }
0x74: {  	_ =	shalt  }
0x75: {  	_ =	shalt  }
0x76: {  	_ =	shalt  }
0x77: {  	_ =	shalt  }
0x78: {  	_ =	shalt  }
0x79: {  	_ =	shalt  }
0x7a: {  	_ =	shalt  }
0x7b: {  	_ =	shalt  }
0x7c: {  	_ =	shalt  }
0x7d: {  	_ =	shalt  }
0x7e: {  	_ =	shalt  }
0x7f: {  	_ =	shalt  }
0x80: {  	_ =	shalt  }
0x81: {  	_ =	shalt  }
0x82: {  	_ =	shalt  }
0x83: {  	_ =	shalt  }
0x84: {  	_ =	shalt  }
0x85: {  	_ =	shalt  }
0x86: {  	_ =	shalt  }
0x87: {  	_ =	shalt  }
.Lfunc_end0:
.L_simem_size_0:
called_computation_lowered:
.L_overlay_start_0:
0x88: {  	s2 =	sld [smem:$0x3FD9]  }
0x89: {  	s3 =	sld [smem:$0x3FFE];
	_ =	sdelay $0x1  }
0x8a: {  	s1 =	srdreg.scid  }
0x8b: {  	s0 =	sand.u32 $0x1, s1  }
0x8c: {  	s14 =	sshll.u32 s0, $0xA;
	s2 =	sadd.s32 s3, s2  }
0x8d: {  	s2 =	sadd.s32 s2, s14  }
0x8e: {  	[smem:$0x3FB1] =	sst s2  }
0x8f: {  	_ = 	snop  }
0x90: {  	s2 =	sld [smem:$0x3FD0];
	_ =	sdelay $0x2  }
0x91: {  	s4 =	simm.s32 $0xA;
	s5 =	simm.s32 $0x10;
	s15 =	sld [smem:$0x3FC7]  }
0x92: {  	[smem:s5], [sflag:s4] =	dma.local [hbm:s2], $0x1  }
0x93: {  	_ =	swait.eq [sflag:s4], $0x1  }
0x94: {  	[sflag:s4] =	ssyncset.done $0x0  }
0x95: {  	[sflag:s4] =	ssyncadd.s32 $0xFFFFFFFF  }
0x96: {  	s16 =	sld [smem:$0x11];
	(tm) =	ssettm $0x1  }
0x97: {  	s17 =	sld [smem:$0x3FFB];
	_ =	sdelay $0x3  }
0x98: {  	_ =	strace s17  }
0x99: {  	s4 =	sld [smem:$0x3FFC];
	_ =	sdelay $0x3  }
0x9a: {  	_ =	strace s4  }
0x9b: {  	s4 =	sld [smem:$0x3FFD];
	_ =	sdelay $0x3  }
0x9c: {  	_ =	strace s4  }
0x9d: {  	_ =	strace $0x8FFFFFFF  }
0x9e: {  	s18 =	sld [smem:$0x3FDB];
	_ =	sdelay $0x1  }
0x9f: {  	s19 =	simm.s32 $_scs_section_size  }
0xa0: {  	s6 =	simm.s32 $_size__tile_overlayer_lowered;
	s7 =	simm.s32 $_tile_overlayer_lowered  }
0xa1: {  	s22 =	simm.s32 $0x1BFF;
	s21 =	sshll.u32 s7, $0x1;
	s4 =	sadd.s32 s19, s18  }
0xa2: {  	s8 =	simm.s32 $0x0;
	s20 =	sshll.u32 s6, $0x1;
	s6 =	sadd.s32 s21, s4  }
0xa3: {  	[timem:s8], [sflag:s22] =	dma.local [hbm:s6], s20  }
0xa4: {  	_ =	swait.ge [sflag:s22], s20  }
0xa5: {  	s5 =	ssub.s32 $0x0, s20;
	[sflag:s22] =	ssyncset.done $0x0  }
0xa6: {  	[sflag:s22] =	ssyncadd.s32 s5;
	_ =	sdelay $0x1  }
0xa7: {  	s23 =	simm.s32 $0x1B8B  }
0xa8: {  	_ =	swait.ge [sflag:s23], $0x1  }
0xa9: {  	[sflag:s23] =	ssyncset.done $0x0  }
0xaa: {  	s25 =	simm.s32 $0x1B8E;
	s24 =	sld [smem:$0x3FFE];
	[sflag:s23] =	ssyncadd.s32 $0xFFFFFFFF  }
0xab: {  	s26 =	simm.s32 $execute0_lowered;
	[smem:$0x3FD2] =	sst s25  }
0xac: {  	s6 =	sshll.u32 s26, $0x1;
	_ =	strace $0x80000046;
	[dreg:$0x1] =	wrdreg $0xFFFFFFFF  }
0xad: {  	s28 =	simm.s32 $_size_execute0_lowered;
	s4 =	sadd.s32 s4, s6;
	[dreg:$0x0] =	wrdreg $0x0  }
0xae: {  	s6 =	sshll.u32 s28, $0x1;
	[dreg:$0x2] =	wrdreg s4  }
0xaf: {  	[dreg:$0x3] =	wrdreg s6  }
0xb0: {  	[dreg:$0x4] =	wrdreg $0xC0  }
0xb1: {  	_ =	task [dreg:s8], $0x5FFFF  }
0xb2: {  	[dreg:$0x1] =	wrdreg $0xFFFFFFFF  }
0xb3: {  	[dreg:$0x0] =	wrdreg $0x60  }
0xb4: {  	[dreg:$0x2] =	wrdreg s15  }
0xb5: {  	[dreg:$0x3] =	wrdreg s16  }
0xb6: {  	[dreg:$0x4] =	wrdreg s24  }
0xb7: {  	[dreg:$0x5] =	wrdreg $0x9  }
0xb8: {  	_ =	task.clear_ibuf [dreg:s8], $0x6FFFF;
	_ =	strace $0x90000046  }
0xb9: {  	s29 =	simm.s32 $0x9;
	_ =	strace $0x80000048  }
0xba: {  	_ =	swait.ge [sflag:s29], $0x1  }
0xbb: {  	[sflag:s29] =	ssyncadd.s32 $0xFFFFFFFF  }
0xbc: {  	_ =	strace $0x90000048  }
0xbd: {  	_ =	sfence  }
0xbe: {  	s30 =	sld [smem:$0x0];
	_ =	sdelay $0x2  }
0xbf: {  	s31 =	sshll.u32 s1, $0xD;
	s1 =	sshrl.u32 s1, $0x2  }
0xc0: {  	s3 =	sand.u32 $0x4000, s31;
	s1 =	sadd.s32 s1, s30  }
0xc1: {  	s0 =	sor.u32 s3, s0;
	s1 =	sshll.u32 s1, $0x11  }
0xc2: {  	s0 =	sor.u32 s1, s0  }
0xc3: {  	s0 =	sadd.s32 $0x8F2B, s0  }
0xc4: {  	[sflag:s0] =	ssyncadd.remote.s32 $0x1  }
0xc5: {  	_ =	sfence.sel $0xFFFF  }
0xc6: {  	[dreg:$0x0] =	wrdreg $0xFFFFFFFF;
	(pc) =	sbr.abs _section_cstart, $3  }
0xc7: {  	[dreg:$0x1] =	wrdreg $0xFFFFFFFF  }
0xc8: {  	_ =	task.clear_ibuf [dreg:s8], $0x2FFFF;
	_ =	strace $0x9FFFFFFF  }
0xc9: {  	(tm) =	ssettm $0x7FFFFFFF  }
tec
execute0_lowered:
.L_overlay_start_1:
0x0: {  	(tag) =	ssettag $0x1  }
0x1: {  	s2 =	rddreg [dreg:$0x0]  }
0x2: {  	s4 =	rddreg [dreg:$0x1]  }
0x3: {  	s1 =	srdreg.scid;
	s0 =	stileid.u32  }
0x4: {  	s10 =	rddreg [dreg:$0x2];
	s11 =	sand.u32 $0x1, s1;
	s5 =	sshll.u32 s0, $0x1  }
0x5: {  	s3 =	simm.s32 $0x0;
	s1 =	rddreg [dreg:$0x3];
	s12 =	sor.u32 s11, s5  }
0x6: {  	[smem:$0x7FF] =	sst s3;
	s5 =	sshll.u32 s12, $0x5  }
0x7: {  	_ =	strace $0x80000047;
	s5 =	sadd.s32 s4, s5;
	s4 =	simm.s32 $0x3  }
0x8: {  	[tilespmem:s3], [sflag:$0x3] =	stream.linear.gather [hbm4b:s5+s3], $0x100, $0x38;
	[tilespmem:$0x8100] =	vst v63  }
0x9: {  	_ =	swait.ge [sflag:s4], $0x100  }
0xa: {  	[sflag:s4] =	ssyncset.done $0x0  }
0xb: {  	s6 =	simm.s32 $0x80;
	s7 =	simm.s32 $0x100;
	[sflag:s4] =	ssyncadd.s32 $0xFFFFFF00  }
0xc: {  	[tilespmem:s7], [sflag:$0x1] =	stream.indirect.gather [hbm4b:s2+s6], $0x80, s3, s6, $0xb8;
	[tilespmem:$0x8100] =	vst v63  }
0xd: {  	s8 =	simm.s32 $0x4100;
	s9 =	simm.s32 $0x1  }
0xe: {  	[tilespmem:s8], [sflag:$0x2] =	stream.indirect.gather [hbm4b:s2+s6], $0x80, s6, s6, $0xb8;
	[tilespmem:$0x8100] =	vst v63  }
0xf: {  	s12 =	sshll.u32 s12, $0xC;
	_ =	swait.ge [sflag:s9], $0x4000  }
0x10: {  	s12 =	sadd.s32 s12, s10;
	[sflag:s9] =	ssyncset.done $0x0  }
0x11: {  	s13 =	ssub.s32 $0x2, s11;
	s10 =	sadd.s32 $0x3000, s12;
	[sflag:s9] =	ssyncadd.s32 $0xFFFFC000  }
0x12: {  	[hbm4b:s10+s3] =	stream.linear.scatter [tilespmem:s7], [sflag:$0x3], $0x4000, $0x38;
	[tilespmem:$0x8100] =	vst v63  }
0x13: {  	s14 =	sshrl.u32 s13, $0x1;
	_ =	swait.ge [sflag:s4], $0x4000  }
0x14: {  	s13 =	ssub.s32 s13, s14;
	[sflag:s4] =	ssyncset.done $0x0  }
0x15: {  	s11 =	simm.s32 $0x2;
	s13 =	smax.u32 s13, $0x1;
	[sflag:s4] =	ssyncadd.s32 $0xFFFFC000  }
0x16: {  	p0 =	sne.s32 s13, $0x1;
	_ =	swait.ge [sflag:s11], $0x4000  }
.Ltmp0:
0x17: {  	[sflag:s11] =	ssyncset.done $0x0;
	(pc) =	sbr.rel @!p0 .LBB2_2-.Ltmp0, $4  }
0x18: {  	s12 =	sadd.s32 $0x3800, s12;
	[sflag:s11] =	ssyncadd.s32 $0xFFFFC000  }
0x19: {  	[hbm4b:s12+s3] =	stream.linear.scatter [tilespmem:s8], [sflag:$0x3], $0x4000, $0x38;
	[tilespmem:$0x8100] =	vst v63  }
0x1a: {  	_ =	swait.ge [sflag:s4], $0x4000  }
0x1b: {  	s13 =	sadd.s32 $0xFFFFFFFF, s13;
	[sflag:s4] =	ssyncset.done $0x0  }
.LBB2_1:
0x1c: {  	p0 =	sne.s32 s13, $0x1;
	s13 =	sadd.s32 $0xFFFFFFFF, s13;
	[sflag:s4] =	ssyncadd.s32 $0xFFFFC000  }
0x1d: {  	[tilespmem:s3], [sflag:$0x3] =	stream.linear.gather [hbm4b:s5+s3], $0x100, $0x38;
	[tilespmem:$0x8100] =	vst v63  }
0x1e: {  	_ =	swait.ge [sflag:s4], $0x100  }
0x1f: {  	[sflag:s4] =	ssyncset.done $0x0  }
0x20: {  	[sflag:s4] =	ssyncadd.s32 $0xFFFFFF00  }
0x21: {  	[tilespmem:s7], [sflag:$0x1] =	stream.indirect.gather [hbm4b:s2+s6], $0x80, s3, s6, $0xb8;
	[tilespmem:$0x8100] =	vst v63  }
0x22: {  	_ = 	snop  }
0x23: {  	[tilespmem:s8], [sflag:$0x2] =	stream.indirect.gather [hbm4b:s2+s6], $0x80, s6, s6, $0xb8;
	[tilespmem:$0x8100] =	vst v63  }
0x24: {  	_ =	swait.ge [sflag:s9], $0x4000  }
0x25: {  	[sflag:s9] =	ssyncset.done $0x0  }
0x26: {  	[sflag:s9] =	ssyncadd.s32 $0xFFFFC000  }
0x27: {  	[hbm4b:s10+s3] =	stream.linear.scatter [tilespmem:s7], [sflag:$0x3], $0x4000, $0x38;
	[tilespmem:$0x8100] =	vst v63  }
0x28: {  	_ =	swait.ge [sflag:s4], $0x4000  }
0x29: {  	[sflag:s4] =	ssyncset.done $0x0  }
0x2a: {  	[sflag:s4] =	ssyncadd.s32 $0xFFFFC000  }
0x2b: {  	_ =	swait.ge [sflag:s11], $0x4000  }
.Ltmp1:
0x2c: {  	[sflag:s11] =	ssyncset.done $0x0;
	(pc) =	sbr.rel @p0 .LBB2_1-.Ltmp1, $4  }
0x2d: {  	[sflag:s11] =	ssyncadd.s32 $0xFFFFC000  }
0x2e: {  	[hbm4b:s12+s3] =	stream.linear.scatter [tilespmem:s8], [sflag:$0x3], $0x4000, $0x38;
	[tilespmem:$0x8100] =	vst v63  }
0x2f: {  	_ =	swait.ge [sflag:s4], $0x4000  }
0x30: {  	[sflag:s4] =	ssyncset.done $0x0  }
.LBB2_2:
0x31: {  	[sflag:s4] =	ssyncadd.s32 $0xFFFFC000  }
0x32: {  	_ =	sfence.sel $0x180000  }
0x33: {  	[bflag:$0x0] =	sbarrier.arrive $0xFFFF  }
0x34: {  	p0 =	sne.s32 s0, $0x0;
	_ =	strace $0x90000047  }
0x35: {  	s0 =	sadd.s32 @!p0 $0x100000, s1;
	[bflag:$0x2] =	sbarrier.arrive $0xFFFF  }
0x36: {  	[sflag:s0] =	ssyncadd.tile.s32 @!p0 $0x1;
	_ =	shalt  }
.Lfunc_end2:
_tile_overlayer_lowered:
.L_overlay_start_2:
0x37: {  	(tag) =	ssettag $0x2  }
0x38: {  	s0 =	rddreg [dreg:$0x0];
	s2 =	stileid.u32  }
0x39: {  	s1 =	rddreg [dreg:$0x1];
	p0 =	sne.s32 s2, $0x0  }
0x3a: {  	s3 =	rddreg [dreg:$0x2];
	[bflag:$0x3] =	sbarrier.arrive $0xFFFF;
	s2 =	simm.s32 @!p0 $0x1C03  }
0x3b: {  	[timem:s3], [sflag:s2] =	dma.local @!p0 [hbm:s0], s1  }
0x3c: {  	s0 =	simm.s32 @!p0 $0x3  }
0x3d: {  	_ =	swait.ge @!p0 [sflag:s0], s1  }
0x3e: {  	s1 =	ssub.s32 @!p0 $0x0, s1;
	[sflag:s0] =	ssyncset.done @!p0 $0x0  }
0x3f: {  	[sflag:s0] =	ssyncadd.s32 @!p0 s1  }
0x40: {  	[bflag:$0x3] =	sbarrier.arrive $0xFFFF  }
0x41: {  	_ =	shalt  }

</sc_bundles>
